<compile_context>
chip_gen: v7x
topology: tpu7x:2x2x1
jax: 0.10.2.dev20260603
libtpu: 0.0.44.dev20260713+nightly
codegen_flags: <defaults>
</compile_context>

<pallas_src>
import functools

import jax
import jax.numpy as jnp
from jax import lax
from jax.experimental import pallas as pl
from jax.experimental.pallas import tpu as pltpu
from jax.experimental.pallas import tpu_sc as plsc

VOCAB = 1000000
MAXLEN = 200
EMBED = 32
BATCH = 4096

NC = 2
NS = 16
NW = NC * NS

T = BATCH * MAXLEN
TPW = T // NW
R = 4
C = R * MAXLEN
NCHUNK = TPW // C
SUB = 100
SPC = C // SUB
IDX_ROWS_PER_W = TPW // SUB


def _make_kernel():
    mesh = plsc.VectorSubcoreMesh(core_axis_name="c", subcore_axis_name="s")

    @functools.partial(
        pl.kernel,
        out_type=jax.ShapeDtypeStruct((T, EMBED), jnp.float32),
        mesh=mesh,
        scratch_types=[
            pltpu.VMEM((IDX_ROWS_PER_W, SUB), jnp.int32),
            pltpu.VMEM((C, EMBED), jnp.float32),
            pltpu.VMEM((MAXLEN, EMBED), jnp.float32),
            pltpu.SemaphoreType.DMA,
        ],
        compiler_params=pltpu.CompilerParams(use_tc_tiling_on_sc=False),
    )
    def emb(x_hbm, tok_hbm, pos_hbm, out_hbm, idx_v, rows_v, pos_v, sem):
        cid = lax.axis_index("c")
        sid = lax.axis_index("s")
        wid = sid * NC + cid

        pltpu.sync_copy(pos_hbm, pos_v)
        pltpu.sync_copy(
            x_hbm.at[pl.ds(wid * IDX_ROWS_PER_W, IDX_ROWS_PER_W)], idx_v)

        def do_chunk(g, carry):
            copies = []
            for si in range(SPC):
                row = g * SPC + si
                copies.append(pltpu.async_copy(
                    tok_hbm.at[idx_v.at[row]],
                    rows_v.at[pl.ds(si * SUB, SUB)],
                    sem))
            for cp in copies:
                cp.wait()

            def add_l(l, c2):
                p0 = pos_v[l, pl.ds(0, 16)]
                p1 = pos_v[l, pl.ds(16, 16)]
                for r in range(R):
                    t = r * MAXLEN + l
                    rows_v[t, pl.ds(0, 16)] += p0
                    rows_v[t, pl.ds(16, 16)] += p1
                return c2

            lax.fori_loop(0, MAXLEN, add_l, 0, unroll=2)

            pltpu.sync_copy(
                rows_v, out_hbm.at[pl.ds(wid * TPW + g * C, C)])
            return carry

        lax.fori_loop(0, NCHUNK, do_chunk, 0)

    return emb


_emb = _make_kernel()


def kernel(x, token_table, pos_table):
    b, l = x.shape
    x2 = x.reshape(T // SUB, SUB).astype(jnp.int32)
    out = _emb(x2, token_table, pos_table)
    return out.reshape(b, l, EMBED)

# --- scband reference (transcript-rebuilt; emitter-appended) ---
"""Pipeline reference for scband-token-and-position-embedding-26371099197641 (READ-ONLY COPY).

The authoritative reference and input builder live on the scoring server;
editing this copy changes nothing except your own understanding.
"""

import jax, jax.numpy as jnp
import numpy as np

VOCAB = 1000000
MAXLEN = 200
EMBED = 32
BATCH = 4096


def setup_inputs(seed: int = 0) -> dict:
    key = jax.random.key(seed)
    k1, k2, k3 = jax.random.split(key, 3)
    x = jax.random.randint(k1, (BATCH, MAXLEN), 0, VOCAB, dtype=jnp.int64 if jax.config.jax_enable_x64 else jnp.int32)
    token_table = jax.random.normal(k2, (VOCAB, EMBED), dtype=jnp.float32) * 0.02
    pos_table = jax.random.normal(k3, (MAXLEN, EMBED), dtype=jnp.float32) * 0.02
    return {"x": x, "token_table": token_table, "pos_table": pos_table}


def reference(x, token_table, pos_table):
    # positions = range(seq_len); pos_emb lookup
    seq_len = x.shape[-1]
    positions = jnp.arange(seq_len)
    pos = jnp.take(pos_table, positions, axis=0)  # [L, E]
    tok = jnp.take(token_table, x, axis=0)        # [B, L, E]
    return tok + pos[None, :, :]

if __name__ == "__main__":
    import jax
    _d = setup_inputs()
    print(jax.jit(kernel)(*tuple(_d.values())))

</pallas_src>

<mosaic_0001>
#map = affine_map<(d0, d1) -> (0, 0)>
module attributes {stable_mosaic.version = 14 : i64} {
  func.func @emb(%arg0: i32, %arg1: i32, %arg2: memref<8192x100xi32, #tpu.memory_space<hbm>>, %arg3: memref<1000000x32xf32, #tpu.memory_space<hbm>>, %arg4: memref<200x32xf32, #tpu.memory_space<hbm>>, %arg5: memref<819200x32xf32, #tpu.memory_space<hbm>>, %arg6: memref<256x100xi32, #tpu.memory_space<vmem>>, %arg7: memref<800x32xf32, #tpu.memory_space<vmem>>, %arg8: memref<200x32xf32, #tpu.memory_space<vmem>>, %arg9: memref<!tpu.dma_semaphore, #tpu.memory_space<semaphore_mem>>) attributes {dimension_semantics = [#tpu.dimension_semantics<core_parallel>, #tpu.dimension_semantics<subcore_parallel>], iteration_bounds = array<i64: 2, 16>, scalar_prefetch = 0 : i64, scratch_operands = 4 : i64, tpu.core_type = #tpu.core_type<sc_vector_subcore>, window_params = [{transform_indices = #map}, {transform_indices = #map}, {transform_indices = #map}, {transform_indices = #map}]} {
    %mul3A = arith.constant 2 : i32
    %mul3A_0 = arith.muli %arg1, %mul3A : i32
    %add3A = arith.addi %mul3A_0, %arg0 : i32
    "tpu.region"() ({
      %run_scoped3A = tpu.sem_alloc : memref<!tpu.dma_semaphore, #tpu.memory_space<semaphore_mem>>
      tpu.enqueue_dma source(%arg4 : memref<200x32xf32, #tpu.memory_space<hbm>>) target(%arg8 : memref<200x32xf32, #tpu.memory_space<vmem>>) target_semaphore(%run_scoped3A : memref<!tpu.dma_semaphore, #tpu.memory_space<semaphore_mem>>)
      tpu.wait_dma2 semaphore(%run_scoped3A : memref<!tpu.dma_semaphore, #tpu.memory_space<semaphore_mem>>) src(%arg4 : memref<200x32xf32, #tpu.memory_space<hbm>>) dst(%arg8 : memref<200x32xf32, #tpu.memory_space<vmem>>)
      tpu.yield
    }) : () -> ()
    %mul3A_1 = arith.constant 256 : i32
    %mul3A_2 = arith.muli %add3A, %mul3A_1 : i32
    "tpu.region"() ({
      %run_scoped3A = tpu.sem_alloc : memref<!tpu.dma_semaphore, #tpu.memory_space<semaphore_mem>>
      %dma_start3A = arith.constant 0 : i32
      %dma_start3A_8 = tpu.memref_slice %arg2[%mul3A_2, %dma_start3A] : memref<8192x100xi32, #tpu.memory_space<hbm>> -> memref<256x100xi32, #tpu.memory_space<hbm>>
      %dma_start3A_9 = arith.constant 0 : i32
      %dma_start3A_10 = tpu.memref_slice %arg2[%mul3A_2, %dma_start3A_9] : memref<8192x100xi32, #tpu.memory_space<hbm>> -> memref<256x100xi32, #tpu.memory_space<hbm>>
      tpu.enqueue_dma source(%dma_start3A_10 : memref<256x100xi32, #tpu.memory_space<hbm>>) target(%arg6 : memref<256x100xi32, #tpu.memory_space<vmem>>) target_semaphore(%run_scoped3A : memref<!tpu.dma_semaphore, #tpu.memory_space<semaphore_mem>>)
      %dma_wait3A = arith.constant 0 : i32
      %dma_wait3A_11 = tpu.memref_slice %arg2[%mul3A_2, %dma_wait3A] : memref<8192x100xi32, #tpu.memory_space<hbm>> -> memref<256x100xi32, #tpu.memory_space<hbm>>
      %dma_wait3A_12 = arith.constant 0 : i32
      %dma_wait3A_13 = tpu.memref_slice %arg2[%mul3A_2, %dma_wait3A_12] : memref<8192x100xi32, #tpu.memory_space<hbm>> -> memref<256x100xi32, #tpu.memory_space<hbm>>
      tpu.wait_dma2 semaphore(%run_scoped3A : memref<!tpu.dma_semaphore, #tpu.memory_space<semaphore_mem>>) src(%dma_wait3A_13 : memref<256x100xi32, #tpu.memory_space<hbm>>) dst(%arg6 : memref<256x100xi32, #tpu.memory_space<vmem>>)
      tpu.yield
    }) : () -> ()
    %scan3A = arith.constant 0 : i32
    %scan3A_3 = arith.constant 0 : i32
    %scan3A_4 = arith.constant 32 : i32
    %scan3A_5 = arith.addi %scan3A_3, %scan3A_4 : i32
    %scan3A_6 = arith.constant 1 : i32
    scf.for %scan3A_8 = %scan3A_3 to %scan3A_5 step %scan3A_6  : i32 {
      %mul3A_9 = arith.constant 8 : i32
      %mul3A_10 = arith.muli %scan3A_8, %mul3A_9 : i32
      %add3A_11 = arith.constant 0 : i32
      %add3A_12 = arith.addi %mul3A_10, %add3A_11 : i32
      %dma_start3A = arith.constant 0 : i32
      %dma_start3A_13 = arith.constant 0 : i32
      %dma_start3A_14 = tpu.memref_slice %arg7[%dma_start3A, %dma_start3A_13] : memref<800x32xf32, #tpu.memory_space<vmem>> -> memref<100x32xf32, #tpu.memory_space<vmem>>
      %dma_start3A_15 = arith.constant 0 : i32
      %dma_start3A_16 = tpu.memref_slice %arg6[%add3A_12, %dma_start3A_15] : memref<256x100xi32, #tpu.memory_space<vmem>> -> memref<1x100xi32, #tpu.memory_space<vmem>>
      %dma_start3A_17 = tpu.memref_squeeze %dma_start3A_16 : memref<1x100xi32, #tpu.memory_space<vmem>> -> memref<100xi32, #tpu.memory_space<vmem>>
      %dma_start3A_18 = arith.constant 0 : i32
      %dma_start3A_19 = arith.constant 0 : i32
      %dma_start3A_20 = tpu.memref_slice %arg3[%dma_start3A_18, %dma_start3A_19] : memref<1000000x32xf32, #tpu.memory_space<hbm>> -> memref<1000000x32xf32, #tpu.memory_space<hbm>>
      tpu.enqueue_indirect_dma source(%dma_start3A_20 : memref<1000000x32xf32, #tpu.memory_space<hbm>>) target(%dma_start3A_14 : memref<100x32xf32, #tpu.memory_space<vmem>>) offsets(%dma_start3A_17 : memref<100xi32, #tpu.memory_space<vmem>>) semaphore(%arg9 : memref<!tpu.dma_semaphore, #tpu.memory_space<semaphore_mem>>)
      %mul3A_21 = arith.constant 8 : i32
      %mul3A_22 = arith.muli %scan3A_8, %mul3A_21 : i32
      %add3A_23 = arith.constant 1 : i32
      %add3A_24 = arith.addi %mul3A_22, %add3A_23 : i32
      %dma_start3A_25 = arith.constant 100 : i32
      %dma_start3A_26 = arith.constant 0 : i32
      %dma_start3A_27 = tpu.memref_slice %arg7[%dma_start3A_25, %dma_start3A_26] : memref<800x32xf32, #tpu.memory_space<vmem>> -> memref<100x32xf32, #tpu.memory_space<vmem>>
      %dma_start3A_28 = arith.constant 0 : i32
      %dma_start3A_29 = tpu.memref_slice %arg6[%add3A_24, %dma_start3A_28] : memref<256x100xi32, #tpu.memory_space<vmem>> -> memref<1x100xi32, #tpu.memory_space<vmem>>
      %dma_start3A_30 = tpu.memref_squeeze %dma_start3A_29 : memref<1x100xi32, #tpu.memory_space<vmem>> -> memref<100xi32, #tpu.memory_space<vmem>>
      %dma_start3A_31 = arith.constant 0 : i32
      %dma_start3A_32 = arith.constant 0 : i32
      %dma_start3A_33 = tpu.memref_slice %arg3[%dma_start3A_31, %dma_start3A_32] : memref<1000000x32xf32, #tpu.memory_space<hbm>> -> memref<1000000x32xf32, #tpu.memory_space<hbm>>
      tpu.enqueue_indirect_dma source(%dma_start3A_33 : memref<1000000x32xf32, #tpu.memory_space<hbm>>) target(%dma_start3A_27 : memref<100x32xf32, #tpu.memory_space<vmem>>) offsets(%dma_start3A_30 : memref<100xi32, #tpu.memory_space<vmem>>) semaphore(%arg9 : memref<!tpu.dma_semaphore, #tpu.memory_space<semaphore_mem>>)
      %mul3A_34 = arith.constant 8 : i32
      %mul3A_35 = arith.muli %scan3A_8, %mul3A_34 : i32
      %add3A_36 = arith.constant 2 : i32
      %add3A_37 = arith.addi %mul3A_35, %add3A_36 : i32
      %dma_start3A_38 = arith.constant 200 : i32
      %dma_start3A_39 = arith.constant 0 : i32
      %dma_start3A_40 = tpu.memref_slice %arg7[%dma_start3A_38, %dma_start3A_39] : memref<800x32xf32, #tpu.memory_space<vmem>> -> memref<100x32xf32, #tpu.memory_space<vmem>>
      %dma_start3A_41 = arith.constant 0 : i32
      %dma_start3A_42 = tpu.memref_slice %arg6[%add3A_37, %dma_start3A_41] : memref<256x100xi32, #tpu.memory_space<vmem>> -> memref<1x100xi32, #tpu.memory_space<vmem>>
      %dma_start3A_43 = tpu.memref_squeeze %dma_start3A_42 : memref<1x100xi32, #tpu.memory_space<vmem>> -> memref<100xi32, #tpu.memory_space<vmem>>
      %dma_start3A_44 = arith.constant 0 : i32
      %dma_start3A_45 = arith.constant 0 : i32
      %dma_start3A_46 = tpu.memref_slice %arg3[%dma_start3A_44, %dma_start3A_45] : memref<1000000x32xf32, #tpu.memory_space<hbm>> -> memref<1000000x32xf32, #tpu.memory_space<hbm>>
      tpu.enqueue_indirect_dma source(%dma_start3A_46 : memref<1000000x32xf32, #tpu.memory_space<hbm>>) target(%dma_start3A_40 : memref<100x32xf32, #tpu.memory_space<vmem>>) offsets(%dma_start3A_43 : memref<100xi32, #tpu.memory_space<vmem>>) semaphore(%arg9 : memref<!tpu.dma_semaphore, #tpu.memory_space<semaphore_mem>>)
      %mul3A_47 = arith.constant 8 : i32
      %mul3A_48 = arith.muli %scan3A_8, %mul3A_47 : i32
      %add3A_49 = arith.constant 3 : i32
      %add3A_50 = arith.addi %mul3A_48, %add3A_49 : i32
      %dma_start3A_51 = arith.constant 300 : i32
      %dma_start3A_52 = arith.constant 0 : i32
      %dma_start3A_53 = tpu.memref_slice %arg7[%dma_start3A_51, %dma_start3A_52] : memref<800x32xf32, #tpu.memory_space<vmem>> -> memref<100x32xf32, #tpu.memory_space<vmem>>
      %dma_start3A_54 = arith.constant 0 : i32
      %dma_start3A_55 = tpu.memref_slice %arg6[%add3A_50, %dma_start3A_54] : memref<256x100xi32, #tpu.memory_space<vmem>> -> memref<1x100xi32, #tpu.memory_space<vmem>>
      %dma_start3A_56 = tpu.memref_squeeze %dma_start3A_55 : memref<1x100xi32, #tpu.memory_space<vmem>> -> memref<100xi32, #tpu.memory_space<vmem>>
      %dma_start3A_57 = arith.constant 0 : i32
      %dma_start3A_58 = arith.constant 0 : i32
      %dma_start3A_59 = tpu.memref_slice %arg3[%dma_start3A_57, %dma_start3A_58] : memref<1000000x32xf32, #tpu.memory_space<hbm>> -> memref<1000000x32xf32, #tpu.memory_space<hbm>>
      tpu.enqueue_indirect_dma source(%dma_start3A_59 : memref<1000000x32xf32, #tpu.memory_space<hbm>>) target(%dma_start3A_53 : memref<100x32xf32, #tpu.memory_space<vmem>>) offsets(%dma_start3A_56 : memref<100xi32, #tpu.memory_space<vmem>>) semaphore(%arg9 : memref<!tpu.dma_semaphore, #tpu.memory_space<semaphore_mem>>)
      %mul3A_60 = arith.constant 8 : i32
      %mul3A_61 = arith.muli %scan3A_8, %mul3A_60 : i32
      %add3A_62 = arith.constant 4 : i32
      %add3A_63 = arith.addi %mul3A_61, %add3A_62 : i32
      %dma_start3A_64 = arith.constant 400 : i32
      %dma_start3A_65 = arith.constant 0 : i32
      %dma_start3A_66 = tpu.memref_slice %arg7[%dma_start3A_64, %dma_start3A_65] : memref<800x32xf32, #tpu.memory_space<vmem>> -> memref<100x32xf32, #tpu.memory_space<vmem>>
      %dma_start3A_67 = arith.constant 0 : i32
      %dma_start3A_68 = tpu.memref_slice %arg6[%add3A_63, %dma_start3A_67] : memref<256x100xi32, #tpu.memory_space<vmem>> -> memref<1x100xi32, #tpu.memory_space<vmem>>
      %dma_start3A_69 = tpu.memref_squeeze %dma_start3A_68 : memref<1x100xi32, #tpu.memory_space<vmem>> -> memref<100xi32, #tpu.memory_space<vmem>>
      %dma_start3A_70 = arith.constant 0 : i32
      %dma_start3A_71 = arith.constant 0 : i32
      %dma_start3A_72 = tpu.memref_slice %arg3[%dma_start3A_70, %dma_start3A_71] : memref<1000000x32xf32, #tpu.memory_space<hbm>> -> memref<1000000x32xf32, #tpu.memory_space<hbm>>
      tpu.enqueue_indirect_dma source(%dma_start3A_72 : memref<1000000x32xf32, #tpu.memory_space<hbm>>) target(%dma_start3A_66 : memref<100x32xf32, #tpu.memory_space<vmem>>) offsets(%dma_start3A_69 : memref<100xi32, #tpu.memory_space<vmem>>) semaphore(%arg9 : memref<!tpu.dma_semaphore, #tpu.memory_space<semaphore_mem>>)
      %mul3A_73 = arith.constant 8 : i32
      %mul3A_74 = arith.muli %scan3A_8, %mul3A_73 : i32
      %add3A_75 = arith.constant 5 : i32
      %add3A_76 = arith.addi %mul3A_74, %add3A_75 : i32
      %dma_start3A_77 = arith.constant 500 : i32
      %dma_start3A_78 = arith.constant 0 : i32
      %dma_start3A_79 = tpu.memref_slice %arg7[%dma_start3A_77, %dma_start3A_78] : memref<800x32xf32, #tpu.memory_space<vmem>> -> memref<100x32xf32, #tpu.memory_space<vmem>>
      %dma_start3A_80 = arith.constant 0 : i32
      %dma_start3A_81 = tpu.memref_slice %arg6[%add3A_76, %dma_start3A_80] : memref<256x100xi32, #tpu.memory_space<vmem>> -> memref<1x100xi32, #tpu.memory_space<vmem>>
      %dma_start3A_82 = tpu.memref_squeeze %dma_start3A_81 : memref<1x100xi32, #tpu.memory_space<vmem>> -> memref<100xi32, #tpu.memory_space<vmem>>
      %dma_start3A_83 = arith.constant 0 : i32
      %dma_start3A_84 = arith.constant 0 : i32
      %dma_start3A_85 = tpu.memref_slice %arg3[%dma_start3A_83, %dma_start3A_84] : memref<1000000x32xf32, #tpu.memory_space<hbm>> -> memref<1000000x32xf32, #tpu.memory_space<hbm>>
      tpu.enqueue_indirect_dma source(%dma_start3A_85 : memref<1000000x32xf32, #tpu.memory_space<hbm>>) target(%dma_start3A_79 : memref<100x32xf32, #tpu.memory_space<vmem>>) offsets(%dma_start3A_82 : memref<100xi32, #tpu.memory_space<vmem>>) semaphore(%arg9 : memref<!tpu.dma_semaphore, #tpu.memory_space<semaphore_mem>>)
      %mul3A_86 = arith.constant 8 : i32
      %mul3A_87 = arith.muli %scan3A_8, %mul3A_86 : i32
      %add3A_88 = arith.constant 6 : i32
      %add3A_89 = arith.addi %mul3A_87, %add3A_88 : i32
      %dma_start3A_90 = arith.constant 600 : i32
      %dma_start3A_91 = arith.constant 0 : i32
      %dma_start3A_92 = tpu.memref_slice %arg7[%dma_start3A_90, %dma_start3A_91] : memref<800x32xf32, #tpu.memory_space<vmem>> -> memref<100x32xf32, #tpu.memory_space<vmem>>
      %dma_start3A_93 = arith.constant 0 : i32
      %dma_start3A_94 = tpu.memref_slice %arg6[%add3A_89, %dma_start3A_93] : memref<256x100xi32, #tpu.memory_space<vmem>> -> memref<1x100xi32, #tpu.memory_space<vmem>>
      %dma_start3A_95 = tpu.memref_squeeze %dma_start3A_94 : memref<1x100xi32, #tpu.memory_space<vmem>> -> memref<100xi32, #tpu.memory_space<vmem>>
      %dma_start3A_96 = arith.constant 0 : i32
      %dma_start3A_97 = arith.constant 0 : i32
      %dma_start3A_98 = tpu.memref_slice %arg3[%dma_start3A_96, %dma_start3A_97] : memref<1000000x32xf32, #tpu.memory_space<hbm>> -> memref<1000000x32xf32, #tpu.memory_space<hbm>>
      tpu.enqueue_indirect_dma source(%dma_start3A_98 : memref<1000000x32xf32, #tpu.memory_space<hbm>>) target(%dma_start3A_92 : memref<100x32xf32, #tpu.memory_space<vmem>>) offsets(%dma_start3A_95 : memref<100xi32, #tpu.memory_space<vmem>>) semaphore(%arg9 : memref<!tpu.dma_semaphore, #tpu.memory_space<semaphore_mem>>)
      %mul3A_99 = arith.constant 8 : i32
      %mul3A_100 = arith.muli %scan3A_8, %mul3A_99 : i32
      %add3A_101 = arith.constant 7 : i32
      %add3A_102 = arith.addi %mul3A_100, %add3A_101 : i32
      %dma_start3A_103 = arith.constant 700 : i32
      %dma_start3A_104 = arith.constant 0 : i32
      %dma_start3A_105 = tpu.memref_slice %arg7[%dma_start3A_103, %dma_start3A_104] : memref<800x32xf32, #tpu.memory_space<vmem>> -> memref<100x32xf32, #tpu.memory_space<vmem>>
      %dma_start3A_106 = arith.constant 0 : i32
      %dma_start3A_107 = tpu.memref_slice %arg6[%add3A_102, %dma_start3A_106] : memref<256x100xi32, #tpu.memory_space<vmem>> -> memref<1x100xi32, #tpu.memory_space<vmem>>
      %dma_start3A_108 = tpu.memref_squeeze %dma_start3A_107 : memref<1x100xi32, #tpu.memory_space<vmem>> -> memref<100xi32, #tpu.memory_space<vmem>>
      %dma_start3A_109 = arith.constant 0 : i32
      %dma_start3A_110 = arith.constant 0 : i32
      %dma_start3A_111 = tpu.memref_slice %arg3[%dma_start3A_109, %dma_start3A_110] : memref<1000000x32xf32, #tpu.memory_space<hbm>> -> memref<1000000x32xf32, #tpu.memory_space<hbm>>
      tpu.enqueue_indirect_dma source(%dma_start3A_111 : memref<1000000x32xf32, #tpu.memory_space<hbm>>) target(%dma_start3A_105 : memref<100x32xf32, #tpu.memory_space<vmem>>) offsets(%dma_start3A_108 : memref<100xi32, #tpu.memory_space<vmem>>) semaphore(%arg9 : memref<!tpu.dma_semaphore, #tpu.memory_space<semaphore_mem>>)
      %dma_wait3A = arith.constant 0 : i32
      %dma_wait3A_112 = arith.constant 0 : i32
      %dma_wait3A_113 = tpu.memref_slice %arg7[%dma_wait3A, %dma_wait3A_112] : memref<800x32xf32, #tpu.memory_space<vmem>> -> memref<100x32xf32, #tpu.memory_space<vmem>>
      %dma_wait3A_114 = arith.constant 0 : i32
      %dma_wait3A_115 = tpu.memref_slice %arg6[%add3A_12, %dma_wait3A_114] : memref<256x100xi32, #tpu.memory_space<vmem>> -> memref<1x100xi32, #tpu.memory_space<vmem>>
      %dma_wait3A_116 = tpu.memref_squeeze %dma_wait3A_115 : memref<1x100xi32, #tpu.memory_space<vmem>> -> memref<100xi32, #tpu.memory_space<vmem>>
      %dma_wait3A_117 = arith.constant 0 : i32
      %dma_wait3A_118 = arith.constant 0 : i32
      %dma_wait3A_119 = tpu.memref_slice %arg3[%dma_wait3A_117, %dma_wait3A_118] : memref<1000000x32xf32, #tpu.memory_space<hbm>> -> memref<1000000x32xf32, #tpu.memory_space<hbm>>
      tpu.wait_indirect_dma semaphore(%arg9 : memref<!tpu.dma_semaphore, #tpu.memory_space<semaphore_mem>>) src(%dma_wait3A_119 : memref<1000000x32xf32, #tpu.memory_space<hbm>>) dst(%dma_wait3A_113 : memref<100x32xf32, #tpu.memory_space<vmem>>)
      %dma_wait3A_120 = arith.constant 100 : i32
      %dma_wait3A_121 = arith.constant 0 : i32
      %dma_wait3A_122 = tpu.memref_slice %arg7[%dma_wait3A_120, %dma_wait3A_121] : memref<800x32xf32, #tpu.memory_space<vmem>> -> memref<100x32xf32, #tpu.memory_space<vmem>>
      %dma_wait3A_123 = arith.constant 0 : i32
      %dma_wait3A_124 = tpu.memref_slice %arg6[%add3A_24, %dma_wait3A_123] : memref<256x100xi32, #tpu.memory_space<vmem>> -> memref<1x100xi32, #tpu.memory_space<vmem>>
      %dma_wait3A_125 = tpu.memref_squeeze %dma_wait3A_124 : memref<1x100xi32, #tpu.memory_space<vmem>> -> memref<100xi32, #tpu.memory_space<vmem>>
      %dma_wait3A_126 = arith.constant 0 : i32
      %dma_wait3A_127 = arith.constant 0 : i32
      %dma_wait3A_128 = tpu.memref_slice %arg3[%dma_wait3A_126, %dma_wait3A_127] : memref<1000000x32xf32, #tpu.memory_space<hbm>> -> memref<1000000x32xf32, #tpu.memory_space<hbm>>
      tpu.wait_indirect_dma semaphore(%arg9 : memref<!tpu.dma_semaphore, #tpu.memory_space<semaphore_mem>>) src(%dma_wait3A_128 : memref<1000000x32xf32, #tpu.memory_space<hbm>>) dst(%dma_wait3A_122 : memref<100x32xf32, #tpu.memory_space<vmem>>)
      %dma_wait3A_129 = arith.constant 200 : i32
      %dma_wait3A_130 = arith.constant 0 : i32
      %dma_wait3A_131 = tpu.memref_slice %arg7[%dma_wait3A_129, %dma_wait3A_130] : memref<800x32xf32, #tpu.memory_space<vmem>> -> memref<100x32xf32, #tpu.memory_space<vmem>>
      %dma_wait3A_132 = arith.constant 0 : i32
      %dma_wait3A_133 = tpu.memref_slice %arg6[%add3A_37, %dma_wait3A_132] : memref<256x100xi32, #tpu.memory_space<vmem>> -> memref<1x100xi32, #tpu.memory_space<vmem>>
      %dma_wait3A_134 = tpu.memref_squeeze %dma_wait3A_133 : memref<1x100xi32, #tpu.memory_space<vmem>> -> memref<100xi32, #tpu.memory_space<vmem>>
      %dma_wait3A_135 = arith.constant 0 : i32
      %dma_wait3A_136 = arith.constant 0 : i32
      %dma_wait3A_137 = tpu.memref_slice %arg3[%dma_wait3A_135, %dma_wait3A_136] : memref<1000000x32xf32, #tpu.memory_space<hbm>> -> memref<1000000x32xf32, #tpu.memory_space<hbm>>
      tpu.wait_indirect_dma semaphore(%arg9 : memref<!tpu.dma_semaphore, #tpu.memory_space<semaphore_mem>>) src(%dma_wait3A_137 : memref<1000000x32xf32, #tpu.memory_space<hbm>>) dst(%dma_wait3A_131 : memref<100x32xf32, #tpu.memory_space<vmem>>)
      %dma_wait3A_138 = arith.constant 300 : i32
      %dma_wait3A_139 = arith.constant 0 : i32
      %dma_wait3A_140 = tpu.memref_slice %arg7[%dma_wait3A_138, %dma_wait3A_139] : memref<800x32xf32, #tpu.memory_space<vmem>> -> memref<100x32xf32, #tpu.memory_space<vmem>>
      %dma_wait3A_141 = arith.constant 0 : i32
      %dma_wait3A_142 = tpu.memref_slice %arg6[%add3A_50, %dma_wait3A_141] : memref<256x100xi32, #tpu.memory_space<vmem>> -> memref<1x100xi32, #tpu.memory_space<vmem>>
      %dma_wait3A_143 = tpu.memref_squeeze %dma_wait3A_142 : memref<1x100xi32, #tpu.memory_space<vmem>> -> memref<100xi32, #tpu.memory_space<vmem>>
      %dma_wait3A_144 = arith.constant 0 : i32
      %dma_wait3A_145 = arith.constant 0 : i32
      %dma_wait3A_146 = tpu.memref_slice %arg3[%dma_wait3A_144, %dma_wait3A_145] : memref<1000000x32xf32, #tpu.memory_space<hbm>> -> memref<1000000x32xf32, #tpu.memory_space<hbm>>
      tpu.wait_indirect_dma semaphore(%arg9 : memref<!tpu.dma_semaphore, #tpu.memory_space<semaphore_mem>>) src(%dma_wait3A_146 : memref<1000000x32xf32, #tpu.memory_space<hbm>>) dst(%dma_wait3A_140 : memref<100x32xf32, #tpu.memory_space<vmem>>)
      %dma_wait3A_147 = arith.constant 400 : i32
      %dma_wait3A_148 = arith.constant 0 : i32
      %dma_wait3A_149 = tpu.memref_slice %arg7[%dma_wait3A_147, %dma_wait3A_148] : memref<800x32xf32, #tpu.memory_space<vmem>> -> memref<100x32xf32, #tpu.memory_space<vmem>>
      %dma_wait3A_150 = arith.constant 0 : i32
      %dma_wait3A_151 = tpu.memref_slice %arg6[%add3A_63, %dma_wait3A_150] : memref<256x100xi32, #tpu.memory_space<vmem>> -> memref<1x100xi32, #tpu.memory_space<vmem>>
      %dma_wait3A_152 = tpu.memref_squeeze %dma_wait3A_151 : memref<1x100xi32, #tpu.memory_space<vmem>> -> memref<100xi32, #tpu.memory_space<vmem>>
      %dma_wait3A_153 = arith.constant 0 : i32
      %dma_wait3A_154 = arith.constant 0 : i32
      %dma_wait3A_155 = tpu.memref_slice %arg3[%dma_wait3A_153, %dma_wait3A_154] : memref<1000000x32xf32, #tpu.memory_space<hbm>> -> memref<1000000x32xf32, #tpu.memory_space<hbm>>
      tpu.wait_indirect_dma semaphore(%arg9 : memref<!tpu.dma_semaphore, #tpu.memory_space<semaphore_mem>>) src(%dma_wait3A_155 : memref<1000000x32xf32, #tpu.memory_space<hbm>>) dst(%dma_wait3A_149 : memref<100x32xf32, #tpu.memory_space<vmem>>)
      %dma_wait3A_156 = arith.constant 500 : i32
      %dma_wait3A_157 = arith.constant 0 : i32
      %dma_wait3A_158 = tpu.memref_slice %arg7[%dma_wait3A_156, %dma_wait3A_157] : memref<800x32xf32, #tpu.memory_space<vmem>> -> memref<100x32xf32, #tpu.memory_space<vmem>>
      %dma_wait3A_159 = arith.constant 0 : i32
      %dma_wait3A_160 = tpu.memref_slice %arg6[%add3A_76, %dma_wait3A_159] : memref<256x100xi32, #tpu.memory_space<vmem>> -> memref<1x100xi32, #tpu.memory_space<vmem>>
      %dma_wait3A_161 = tpu.memref_squeeze %dma_wait3A_160 : memref<1x100xi32, #tpu.memory_space<vmem>> -> memref<100xi32, #tpu.memory_space<vmem>>
      %dma_wait3A_162 = arith.constant 0 : i32
      %dma_wait3A_163 = arith.constant 0 : i32
      %dma_wait3A_164 = tpu.memref_slice %arg3[%dma_wait3A_162, %dma_wait3A_163] : memref<1000000x32xf32, #tpu.memory_space<hbm>> -> memref<1000000x32xf32, #tpu.memory_space<hbm>>
      tpu.wait_indirect_dma semaphore(%arg9 : memref<!tpu.dma_semaphore, #tpu.memory_space<semaphore_mem>>) src(%dma_wait3A_164 : memref<1000000x32xf32, #tpu.memory_space<hbm>>) dst(%dma_wait3A_158 : memref<100x32xf32, #tpu.memory_space<vmem>>)
      %dma_wait3A_165 = arith.constant 600 : i32
      %dma_wait3A_166 = arith.constant 0 : i32
      %dma_wait3A_167 = tpu.memref_slice %arg7[%dma_wait3A_165, %dma_wait3A_166] : memref<800x32xf32, #tpu.memory_space<vmem>> -> memref<100x32xf32, #tpu.memory_space<vmem>>
      %dma_wait3A_168 = arith.constant 0 : i32
      %dma_wait3A_169 = tpu.memref_slice %arg6[%add3A_89, %dma_wait3A_168] : memref<256x100xi32, #tpu.memory_space<vmem>> -> memref<1x100xi32, #tpu.memory_space<vmem>>
      %dma_wait3A_170 = tpu.memref_squeeze %dma_wait3A_169 : memref<1x100xi32, #tpu.memory_space<vmem>> -> memref<100xi32, #tpu.memory_space<vmem>>
      %dma_wait3A_171 = arith.constant 0 : i32
      %dma_wait3A_172 = arith.constant 0 : i32
      %dma_wait3A_173 = tpu.memref_slice %arg3[%dma_wait3A_171, %dma_wait3A_172] : memref<1000000x32xf32, #tpu.memory_space<hbm>> -> memref<1000000x32xf32, #tpu.memory_space<hbm>>
      tpu.wait_indirect_dma semaphore(%arg9 : memref<!tpu.dma_semaphore, #tpu.memory_space<semaphore_mem>>) src(%dma_wait3A_173 : memref<1000000x32xf32, #tpu.memory_space<hbm>>) dst(%dma_wait3A_167 : memref<100x32xf32, #tpu.memory_space<vmem>>)
      %dma_wait3A_174 = arith.constant 700 : i32
      %dma_wait3A_175 = arith.constant 0 : i32
      %dma_wait3A_176 = tpu.memref_slice %arg7[%dma_wait3A_174, %dma_wait3A_175] : memref<800x32xf32, #tpu.memory_space<vmem>> -> memref<100x32xf32, #tpu.memory_space<vmem>>
      %dma_wait3A_177 = arith.constant 0 : i32
      %dma_wait3A_178 = tpu.memref_slice %arg6[%add3A_102, %dma_wait3A_177] : memref<256x100xi32, #tpu.memory_space<vmem>> -> memref<1x100xi32, #tpu.memory_space<vmem>>
      %dma_wait3A_179 = tpu.memref_squeeze %dma_wait3A_178 : memref<1x100xi32, #tpu.memory_space<vmem>> -> memref<100xi32, #tpu.memory_space<vmem>>
      %dma_wait3A_180 = arith.constant 0 : i32
      %dma_wait3A_181 = arith.constant 0 : i32
      %dma_wait3A_182 = tpu.memref_slice %arg3[%dma_wait3A_180, %dma_wait3A_181] : memref<1000000x32xf32, #tpu.memory_space<hbm>> -> memref<1000000x32xf32, #tpu.memory_space<hbm>>
      tpu.wait_indirect_dma semaphore(%arg9 : memref<!tpu.dma_semaphore, #tpu.memory_space<semaphore_mem>>) src(%dma_wait3A_182 : memref<1000000x32xf32, #tpu.memory_space<hbm>>) dst(%dma_wait3A_176 : memref<100x32xf32, #tpu.memory_space<vmem>>)
      %scan3A_183 = arith.constant 0 : i32
      %scan3A_184 = arith.constant 0 : i32
      %scan3A_185 = arith.constant 200 : i32
      %scan3A_186 = arith.addi %scan3A_184, %scan3A_185 : i32
      %scan3A_187 = arith.constant 2 : i32
      scf.for %scan3A_194 = %scan3A_184 to %scan3A_186 step %scan3A_187  : i32 {
        %get3A = arith.index_cast %scan3A_194 : i32 to index
        %get3A_195 = arith.constant 0 : index
        %get3A_196 = tpu.vector_load %arg8[%get3A, %get3A_195] {strides = array<i32>} : memref<200x32xf32, #tpu.memory_space<vmem>>, vector<1x16xf32>,
        %get3A_197 = vector.shape_cast %get3A_196 : vector<1x16xf32> to vector<16xf32>
        %get3A_198 = arith.index_cast %scan3A_194 : i32 to index
        %get3A_199 = arith.constant 16 : index
        %get3A_200 = tpu.vector_load %arg8[%get3A_198, %get3A_199] {strides = array<i32>} : memref<200x32xf32, #tpu.memory_space<vmem>>, vector<1x16xf32>,
        %get3A_201 = vector.shape_cast %get3A_200 : vector<1x16xf32> to vector<16xf32>
        %add3A_202 = arith.constant 0 : i32
        %add3A_203 = arith.addi %add3A_202, %scan3A_194 : i32
        %get3A_204 = arith.index_cast %add3A_203 : i32 to index
        %get3A_205 = arith.constant 0 : index
        %get3A_206 = tpu.vector_load %arg7[%get3A_204, %get3A_205] {strides = array<i32>} : memref<800x32xf32, #tpu.memory_space<vmem>>, vector<1x16xf32>,
        %get3A_207 = vector.shape_cast %get3A_206 : vector<1x16xf32> to vector<16xf32>
        %add3A_208 = arith.addf %get3A_207, %get3A_197 : vector<16xf32>
        %swap3A = arith.index_cast %add3A_203 : i32 to index
        %swap3A_209 = arith.constant 0 : index
        %swap3A_210 = tpu.vector_load %arg7[%swap3A, %swap3A_209] {strides = array<i32>} : memref<800x32xf32, #tpu.memory_space<vmem>>, vector<1x16xf32>,
        %swap3A_211 = vector.shape_cast %swap3A_210 : vector<1x16xf32> to vector<16xf32>
        %swap3A_212 = vector.shape_cast %add3A_208 : vector<16xf32> to vector<1x16xf32>
        tpu.vector_store %arg7[%swap3A, %swap3A_209], %swap3A_212 {strides = array<i32>} : memref<800x32xf32, #tpu.memory_space<vmem>>, vector<1x16xf32>,
        %get3A_213 = arith.index_cast %add3A_203 : i32 to index
        %get3A_214 = arith.constant 16 : index
        %get3A_215 = tpu.vector_load %arg7[%get3A_213, %get3A_214] {strides = array<i32>} : memref<800x32xf32, #tpu.memory_space<vmem>>, vector<1x16xf32>,
        %get3A_216 = vector.shape_cast %get3A_215 : vector<1x16xf32> to vector<16xf32>
        %add3A_217 = arith.addf %get3A_216, %get3A_201 : vector<16xf32>
        %swap3A_218 = arith.index_cast %add3A_203 : i32 to index
        %swap3A_219 = arith.constant 16 : index
        %swap3A_220 = tpu.vector_load %arg7[%swap3A_218, %swap3A_219] {strides = array<i32>} : memref<800x32xf32, #tpu.memory_space<vmem>>, vector<1x16xf32>,
        %swap3A_221 = vector.shape_cast %swap3A_220 : vector<1x16xf32> to vector<16xf32>
        %swap3A_222 = vector.shape_cast %add3A_217 : vector<16xf32> to vector<1x16xf32>
        tpu.vector_store %arg7[%swap3A_218, %swap3A_219], %swap3A_222 {strides = array<i32>} : memref<800x32xf32, #tpu.memory_space<vmem>>, vector<1x16xf32>,
        %add3A_223 = arith.constant 200 : i32
        %add3A_224 = arith.addi %add3A_223, %scan3A_194 : i32
        %get3A_225 = arith.index_cast %add3A_224 : i32 to index
        %get3A_226 = arith.constant 0 : index
        %get3A_227 = tpu.vector_load %arg7[%get3A_225, %get3A_226] {strides = array<i32>} : memref<800x32xf32, #tpu.memory_space<vmem>>, vector<1x16xf32>,
        %get3A_228 = vector.shape_cast %get3A_227 : vector<1x16xf32> to vector<16xf32>
        %add3A_229 = arith.addf %get3A_228, %get3A_197 : vector<16xf32>
        %swap3A_230 = arith.index_cast %add3A_224 : i32 to index
        %swap3A_231 = arith.constant 0 : index
        %swap3A_232 = tpu.vector_load %arg7[%swap3A_230, %swap3A_231] {strides = array<i32>} : memref<800x32xf32, #tpu.memory_space<vmem>>, vector<1x16xf32>,
        %swap3A_233 = vector.shape_cast %swap3A_232 : vector<1x16xf32> to vector<16xf32>
        %swap3A_234 = vector.shape_cast %add3A_229 : vector<16xf32> to vector<1x16xf32>
        tpu.vector_store %arg7[%swap3A_230, %swap3A_231], %swap3A_234 {strides = array<i32>} : memref<800x32xf32, #tpu.memory_space<vmem>>, vector<1x16xf32>,
        %get3A_235 = arith.index_cast %add3A_224 : i32 to index
        %get3A_236 = arith.constant 16 : index
        %get3A_237 = tpu.vector_load %arg7[%get3A_235, %get3A_236] {strides = array<i32>} : memref<800x32xf32, #tpu.memory_space<vmem>>, vector<1x16xf32>,
        %get3A_238 = vector.shape_cast %get3A_237 : vector<1x16xf32> to vector<16xf32>
        %add3A_239 = arith.addf %get3A_238, %get3A_201 : vector<16xf32>
        %swap3A_240 = arith.index_cast %add3A_224 : i32 to index
        %swap3A_241 = arith.constant 16 : index
        %swap3A_242 = tpu.vector_load %arg7[%swap3A_240, %swap3A_241] {strides = array<i32>} : memref<800x32xf32, #tpu.memory_space<vmem>>, vector<1x16xf32>,
        %swap3A_243 = vector.shape_cast %swap3A_242 : vector<1x16xf32> to vector<16xf32>
        %swap3A_244 = vector.shape_cast %add3A_239 : vector<16xf32> to vector<1x16xf32>
        tpu.vector_store %arg7[%swap3A_240, %swap3A_241], %swap3A_244 {strides = array<i32>} : memref<800x32xf32, #tpu.memory_space<vmem>>, vector<1x16xf32>,
        %add3A_245 = arith.constant 400 : i32
        %add3A_246 = arith.addi %add3A_245, %scan3A_194 : i32
        %get3A_247 = arith.index_cast %add3A_246 : i32 to index
        %get3A_248 = arith.constant 0 : index
        %get3A_249 = tpu.vector_load %arg7[%get3A_247, %get3A_248] {strides = array<i32>} : memref<800x32xf32, #tpu.memory_space<vmem>>, vector<1x16xf32>,
        %get3A_250 = vector.shape_cast %get3A_249 : vector<1x16xf32> to vector<16xf32>
        %add3A_251 = arith.addf %get3A_250, %get3A_197 : vector<16xf32>
        %swap3A_252 = arith.index_cast %add3A_246 : i32 to index
        %swap3A_253 = arith.constant 0 : index
        %swap3A_254 = tpu.vector_load %arg7[%swap3A_252, %swap3A_253] {strides = array<i32>} : memref<800x32xf32, #tpu.memory_space<vmem>>, vector<1x16xf32>,
        %swap3A_255 = vector.shape_cast %swap3A_254 : vector<1x16xf32> to vector<16xf32>
        %swap3A_256 = vector.shape_cast %add3A_251 : vector<16xf32> to vector<1x16xf32>
        tpu.vector_store %arg7[%swap3A_252, %swap3A_253], %swap3A_256 {strides = array<i32>} : memref<800x32xf32, #tpu.memory_space<vmem>>, vector<1x16xf32>,
        %get3A_257 = arith.index_cast %add3A_246 : i32 to index
        %get3A_258 = arith.constant 16 : index
        %get3A_259 = tpu.vector_load %arg7[%get3A_257, %get3A_258] {strides = array<i32>} : memref<800x32xf32, #tpu.memory_space<vmem>>, vector<1x16xf32>,
        %get3A_260 = vector.shape_cast %get3A_259 : vector<1x16xf32> to vector<16xf32>
        %add3A_261 = arith.addf %get3A_260, %get3A_201 : vector<16xf32>
        %swap3A_262 = arith.index_cast %add3A_246 : i32 to index
        %swap3A_263 = arith.constant 16 : index
        %swap3A_264 = tpu.vector_load %arg7[%swap3A_262, %swap3A_263] {strides = array<i32>} : memref<800x32xf32, #tpu.memory_space<vmem>>, vector<1x16xf32>,
        %swap3A_265 = vector.shape_cast %swap3A_264 : vector<1x16xf32> to vector<16xf32>
        %swap3A_266 = vector.shape_cast %add3A_261 : vector<16xf32> to vector<1x16xf32>
        tpu.vector_store %arg7[%swap3A_262, %swap3A_263], %swap3A_266 {strides = array<i32>} : memref<800x32xf32, #tpu.memory_space<vmem>>, vector<1x16xf32>,
        %add3A_267 = arith.constant 600 : i32
        %add3A_268 = arith.addi %add3A_267, %scan3A_194 : i32
        %get3A_269 = arith.index_cast %add3A_268 : i32 to index
        %get3A_270 = arith.constant 0 : index
        %get3A_271 = tpu.vector_load %arg7[%get3A_269, %get3A_270] {strides = array<i32>} : memref<800x32xf32, #tpu.memory_space<vmem>>, vector<1x16xf32>,
        %get3A_272 = vector.shape_cast %get3A_271 : vector<1x16xf32> to vector<16xf32>
        %add3A_273 = arith.addf %get3A_272, %get3A_197 : vector<16xf32>
        %swap3A_274 = arith.index_cast %add3A_268 : i32 to index
        %swap3A_275 = arith.constant 0 : index
        %swap3A_276 = tpu.vector_load %arg7[%swap3A_274, %swap3A_275] {strides = array<i32>} : memref<800x32xf32, #tpu.memory_space<vmem>>, vector<1x16xf32>,
        %swap3A_277 = vector.shape_cast %swap3A_276 : vector<1x16xf32> to vector<16xf32>
        %swap3A_278 = vector.shape_cast %add3A_273 : vector<16xf32> to vector<1x16xf32>
        tpu.vector_store %arg7[%swap3A_274, %swap3A_275], %swap3A_278 {strides = array<i32>} : memref<800x32xf32, #tpu.memory_space<vmem>>, vector<1x16xf32>,
        %get3A_279 = arith.index_cast %add3A_268 : i32 to index
        %get3A_280 = arith.constant 16 : index
        %get3A_281 = tpu.vector_load %arg7[%get3A_279, %get3A_280] {strides = array<i32>} : memref<800x32xf32, #tpu.memory_space<vmem>>, vector<1x16xf32>,
        %get3A_282 = vector.shape_cast %get3A_281 : vector<1x16xf32> to vector<16xf32>
        %add3A_283 = arith.addf %get3A_282, %get3A_201 : vector<16xf32>
        %swap3A_284 = arith.index_cast %add3A_268 : i32 to index
        %swap3A_285 = arith.constant 16 : index
        %swap3A_286 = tpu.vector_load %arg7[%swap3A_284, %swap3A_285] {strides = array<i32>} : memref<800x32xf32, #tpu.memory_space<vmem>>, vector<1x16xf32>,
        %swap3A_287 = vector.shape_cast %swap3A_286 : vector<1x16xf32> to vector<16xf32>
        %swap3A_288 = vector.shape_cast %add3A_283 : vector<16xf32> to vector<1x16xf32>
        tpu.vector_store %arg7[%swap3A_284, %swap3A_285], %swap3A_288 {strides = array<i32>} : memref<800x32xf32, #tpu.memory_space<vmem>>, vector<1x16xf32>,
        %scan3A_289 = arith.constant 1 : i32
        %scan3A_290 = arith.addi %scan3A_194, %scan3A_289 : i32
        %get3A_291 = arith.index_cast %scan3A_290 : i32 to index
        %get3A_292 = arith.constant 0 : index
        %get3A_293 = tpu.vector_load %arg8[%get3A_291, %get3A_292] {strides = array<i32>} : memref<200x32xf32, #tpu.memory_space<vmem>>, vector<1x16xf32>,
        %get3A_294 = vector.shape_cast %get3A_293 : vector<1x16xf32> to vector<16xf32>
        %get3A_295 = arith.index_cast %scan3A_290 : i32 to index
        %get3A_296 = arith.constant 16 : index
        %get3A_297 = tpu.vector_load %arg8[%get3A_295, %get3A_296] {strides = array<i32>} : memref<200x32xf32, #tpu.memory_space<vmem>>, vector<1x16xf32>,
        %get3A_298 = vector.shape_cast %get3A_297 : vector<1x16xf32> to vector<16xf32>
        %add3A_299 = arith.constant 0 : i32
        %add3A_300 = arith.addi %add3A_299, %scan3A_290 : i32
        %get3A_301 = arith.index_cast %add3A_300 : i32 to index
        %get3A_302 = arith.constant 0 : index
        %get3A_303 = tpu.vector_load %arg7[%get3A_301, %get3A_302] {strides = array<i32>} : memref<800x32xf32, #tpu.memory_space<vmem>>, vector<1x16xf32>,
        %get3A_304 = vector.shape_cast %get3A_303 : vector<1x16xf32> to vector<16xf32>
        %add3A_305 = arith.addf %get3A_304, %get3A_294 : vector<16xf32>
        %swap3A_306 = arith.index_cast %add3A_300 : i32 to index
        %swap3A_307 = arith.constant 0 : index
        %swap3A_308 = tpu.vector_load %arg7[%swap3A_306, %swap3A_307] {strides = array<i32>} : memref<800x32xf32, #tpu.memory_space<vmem>>, vector<1x16xf32>,
        %swap3A_309 = vector.shape_cast %swap3A_308 : vector<1x16xf32> to vector<16xf32>
        %swap3A_310 = vector.shape_cast %add3A_305 : vector<16xf32> to vector<1x16xf32>
        tpu.vector_store %arg7[%swap3A_306, %swap3A_307], %swap3A_310 {strides = array<i32>} : memref<800x32xf32, #tpu.memory_space<vmem>>, vector<1x16xf32>,
        %get3A_311 = arith.index_cast %add3A_300 : i32 to index
        %get3A_312 = arith.constant 16 : index
        %get3A_313 = tpu.vector_load %arg7[%get3A_311, %get3A_312] {strides = array<i32>} : memref<800x32xf32, #tpu.memory_space<vmem>>, vector<1x16xf32>,
        %get3A_314 = vector.shape_cast %get3A_313 : vector<1x16xf32> to vector<16xf32>
        %add3A_315 = arith.addf %get3A_314, %get3A_298 : vector<16xf32>
        %swap3A_316 = arith.index_cast %add3A_300 : i32 to index
        %swap3A_317 = arith.constant 16 : index
        %swap3A_318 = tpu.vector_load %arg7[%swap3A_316, %swap3A_317] {strides = array<i32>} : memref<800x32xf32, #tpu.memory_space<vmem>>, vector<1x16xf32>,
        %swap3A_319 = vector.shape_cast %swap3A_318 : vector<1x16xf32> to vector<16xf32>
        %swap3A_320 = vector.shape_cast %add3A_315 : vector<16xf32> to vector<1x16xf32>
        tpu.vector_store %arg7[%swap3A_316, %swap3A_317], %swap3A_320 {strides = array<i32>} : memref<800x32xf32, #tpu.memory_space<vmem>>, vector<1x16xf32>,
        %add3A_321 = arith.constant 200 : i32
        %add3A_322 = arith.addi %add3A_321, %scan3A_290 : i32
        %get3A_323 = arith.index_cast %add3A_322 : i32 to index
        %get3A_324 = arith.constant 0 : index
        %get3A_325 = tpu.vector_load %arg7[%get3A_323, %get3A_324] {strides = array<i32>} : memref<800x32xf32, #tpu.memory_space<vmem>>, vector<1x16xf32>,
        %get3A_326 = vector.shape_cast %get3A_325 : vector<1x16xf32> to vector<16xf32>
        %add3A_327 = arith.addf %get3A_326, %get3A_294 : vector<16xf32>
        %swap3A_328 = arith.index_cast %add3A_322 : i32 to index
        %swap3A_329 = arith.constant 0 : index
        %swap3A_330 = tpu.vector_load %arg7[%swap3A_328, %swap3A_329] {strides = array<i32>} : memref<800x32xf32, #tpu.memory_space<vmem>>, vector<1x16xf32>,
        %swap3A_331 = vector.shape_cast %swap3A_330 : vector<1x16xf32> to vector<16xf32>
        %swap3A_332 = vector.shape_cast %add3A_327 : vector<16xf32> to vector<1x16xf32>
        tpu.vector_store %arg7[%swap3A_328, %swap3A_329], %swap3A_332 {strides = array<i32>} : memref<800x32xf32, #tpu.memory_space<vmem>>, vector<1x16xf32>,
        %get3A_333 = arith.index_cast %add3A_322 : i32 to index
        %get3A_334 = arith.constant 16 : index
        %get3A_335 = tpu.vector_load %arg7[%get3A_333, %get3A_334] {strides = array<i32>} : memref<800x32xf32, #tpu.memory_space<vmem>>, vector<1x16xf32>,
        %get3A_336 = vector.shape_cast %get3A_335 : vector<1x16xf32> to vector<16xf32>
        %add3A_337 = arith.addf %get3A_336, %get3A_298 : vector<16xf32>
        %swap3A_338 = arith.index_cast %add3A_322 : i32 to index
        %swap3A_339 = arith.constant 16 : index
        %swap3A_340 = tpu.vector_load %arg7[%swap3A_338, %swap3A_339] {strides = array<i32>} : memref<800x32xf32, #tpu.memory_space<vmem>>, vector<1x16xf32>,
        %swap3A_341 = vector.shape_cast %swap3A_340 : vector<1x16xf32> to vector<16xf32>
        %swap3A_342 = vector.shape_cast %add3A_337 : vector<16xf32> to vector<1x16xf32>
        tpu.vector_store %arg7[%swap3A_338, %swap3A_339], %swap3A_342 {strides = array<i32>} : memref<800x32xf32, #tpu.memory_space<vmem>>, vector<1x16xf32>,
        %add3A_343 = arith.constant 400 : i32
        %add3A_344 = arith.addi %add3A_343, %scan3A_290 : i32
        %get3A_345 = arith.index_cast %add3A_344 : i32 to index
        %get3A_346 = arith.constant 0 : index
        %get3A_347 = tpu.vector_load %arg7[%get3A_345, %get3A_346] {strides = array<i32>} : memref<800x32xf32, #tpu.memory_space<vmem>>, vector<1x16xf32>,
        %get3A_348 = vector.shape_cast %get3A_347 : vector<1x16xf32> to vector<16xf32>
        %add3A_349 = arith.addf %get3A_348, %get3A_294 : vector<16xf32>
        %swap3A_350 = arith.index_cast %add3A_344 : i32 to index
        %swap3A_351 = arith.constant 0 : index
        %swap3A_352 = tpu.vector_load %arg7[%swap3A_350, %swap3A_351] {strides = array<i32>} : memref<800x32xf32, #tpu.memory_space<vmem>>, vector<1x16xf32>,
        %swap3A_353 = vector.shape_cast %swap3A_352 : vector<1x16xf32> to vector<16xf32>
        %swap3A_354 = vector.shape_cast %add3A_349 : vector<16xf32> to vector<1x16xf32>
        tpu.vector_store %arg7[%swap3A_350, %swap3A_351], %swap3A_354 {strides = array<i32>} : memref<800x32xf32, #tpu.memory_space<vmem>>, vector<1x16xf32>,
        %get3A_355 = arith.index_cast %add3A_344 : i32 to index
        %get3A_356 = arith.constant 16 : index
        %get3A_357 = tpu.vector_load %arg7[%get3A_355, %get3A_356] {strides = array<i32>} : memref<800x32xf32, #tpu.memory_space<vmem>>, vector<1x16xf32>,
        %get3A_358 = vector.shape_cast %get3A_357 : vector<1x16xf32> to vector<16xf32>
        %add3A_359 = arith.addf %get3A_358, %get3A_298 : vector<16xf32>
        %swap3A_360 = arith.index_cast %add3A_344 : i32 to index
        %swap3A_361 = arith.constant 16 : index
        %swap3A_362 = tpu.vector_load %arg7[%swap3A_360, %swap3A_361] {strides = array<i32>} : memref<800x32xf32, #tpu.memory_space<vmem>>, vector<1x16xf32>,
        %swap3A_363 = vector.shape_cast %swap3A_362 : vector<1x16xf32> to vector<16xf32>
        %swap3A_364 = vector.shape_cast %add3A_359 : vector<16xf32> to vector<1x16xf32>
        tpu.vector_store %arg7[%swap3A_360, %swap3A_361], %swap3A_364 {strides = array<i32>} : memref<800x32xf32, #tpu.memory_space<vmem>>, vector<1x16xf32>,
        %add3A_365 = arith.constant 600 : i32
        %add3A_366 = arith.addi %add3A_365, %scan3A_290 : i32
        %get3A_367 = arith.index_cast %add3A_366 : i32 to index
        %get3A_368 = arith.constant 0 : index
        %get3A_369 = tpu.vector_load %arg7[%get3A_367, %get3A_368] {strides = array<i32>} : memref<800x32xf32, #tpu.memory_space<vmem>>, vector<1x16xf32>,
        %get3A_370 = vector.shape_cast %get3A_369 : vector<1x16xf32> to vector<16xf32>
        %add3A_371 = arith.addf %get3A_370, %get3A_294 : vector<16xf32>
        %swap3A_372 = arith.index_cast %add3A_366 : i32 to index
        %swap3A_373 = arith.constant 0 : index
        %swap3A_374 = tpu.vector_load %arg7[%swap3A_372, %swap3A_373] {strides = array<i32>} : memref<800x32xf32, #tpu.memory_space<vmem>>, vector<1x16xf32>,
        %swap3A_375 = vector.shape_cast %swap3A_374 : vector<1x16xf32> to vector<16xf32>
        %swap3A_376 = vector.shape_cast %add3A_371 : vector<16xf32> to vector<1x16xf32>
        tpu.vector_store %arg7[%swap3A_372, %swap3A_373], %swap3A_376 {strides = array<i32>} : memref<800x32xf32, #tpu.memory_space<vmem>>, vector<1x16xf32>,
        %get3A_377 = arith.index_cast %add3A_366 : i32 to index
        %get3A_378 = arith.constant 16 : index
        %get3A_379 = tpu.vector_load %arg7[%get3A_377, %get3A_378] {strides = array<i32>} : memref<800x32xf32, #tpu.memory_space<vmem>>, vector<1x16xf32>,
        %get3A_380 = vector.shape_cast %get3A_379 : vector<1x16xf32> to vector<16xf32>
        %add3A_381 = arith.addf %get3A_380, %get3A_298 : vector<16xf32>
        %swap3A_382 = arith.index_cast %add3A_366 : i32 to index
        %swap3A_383 = arith.constant 16 : index
        %swap3A_384 = tpu.vector_load %arg7[%swap3A_382, %swap3A_383] {strides = array<i32>} : memref<800x32xf32, #tpu.memory_space<vmem>>, vector<1x16xf32>,
        %swap3A_385 = vector.shape_cast %swap3A_384 : vector<1x16xf32> to vector<16xf32>
        %swap3A_386 = vector.shape_cast %add3A_381 : vector<16xf32> to vector<1x16xf32>
        tpu.vector_store %arg7[%swap3A_382, %swap3A_383], %swap3A_386 {strides = array<i32>} : memref<800x32xf32, #tpu.memory_space<vmem>>, vector<1x16xf32>,
      }
      %scan3A_188 = arith.constant 200 : i32
      %mul3A_189 = arith.constant 25600 : i32
      %mul3A_190 = arith.muli %add3A, %mul3A_189 : i32
      %mul3A_191 = arith.constant 800 : i32
      %mul3A_192 = arith.muli %scan3A_8, %mul3A_191 : i32
      %add3A_193 = arith.addi %mul3A_190, %mul3A_192 : i32
      "tpu.region"() ({
        %run_scoped3A = tpu.sem_alloc : memref<!tpu.dma_semaphore, #tpu.memory_space<semaphore_mem>>
        %dma_start3A_194 = arith.constant 0 : i32
        %dma_start3A_195 = tpu.memref_slice %arg5[%add3A_193, %dma_start3A_194] : memref<819200x32xf32, #tpu.memory_space<hbm>> -> memref<800x32xf32, #tpu.memory_space<hbm>>
        %dma_start3A_196 = arith.constant 0 : i32
        %dma_start3A_197 = tpu.memref_slice %arg5[%add3A_193, %dma_start3A_196] : memref<819200x32xf32, #tpu.memory_space<hbm>> -> memref<800x32xf32, #tpu.memory_space<hbm>>
        tpu.enqueue_dma source(%arg7 : memref<800x32xf32, #tpu.memory_space<vmem>>) target(%dma_start3A_197 : memref<800x32xf32, #tpu.memory_space<hbm>>) target_semaphore(%run_scoped3A : memref<!tpu.dma_semaphore, #tpu.memory_space<semaphore_mem>>)
        %dma_wait3A_198 = arith.constant 0 : i32
        %dma_wait3A_199 = tpu.memref_slice %arg5[%add3A_193, %dma_wait3A_198] : memref<819200x32xf32, #tpu.memory_space<hbm>> -> memref<800x32xf32, #tpu.memory_space<hbm>>
        %dma_wait3A_200 = arith.constant 0 : i32
        %dma_wait3A_201 = tpu.memref_slice %arg5[%add3A_193, %dma_wait3A_200] : memref<819200x32xf32, #tpu.memory_space<hbm>> -> memref<800x32xf32, #tpu.memory_space<hbm>>
        tpu.wait_dma2 semaphore(%run_scoped3A : memref<!tpu.dma_semaphore, #tpu.memory_space<semaphore_mem>>) src(%arg7 : memref<800x32xf32, #tpu.memory_space<vmem>>) dst(%dma_wait3A_201 : memref<800x32xf32, #tpu.memory_space<hbm>>)
        tpu.yield
      }) : () -> ()
    }
    %scan3A_7 = arith.constant 32 : i32
    return
  }
}

</mosaic_0001>

<sc_bundles>
// kernel: kernel.3.cloned.1.call-start
scs
__scs_entry_jumppad:
0x0: {  	(pc) =	sbr.rel $0x88, $3  }
0x1: {  	(tag) =	ssettag $0x0;
	lr =	simm.s32 $0x1  }
0x2: {  	[smem:$0x3F9E] =	sst lr;
	_ =	strace $0xD0000000  }
0x3: {  	_ = 	snop  }
0x4: {  	_ = 	snop  }
0x5: {  	_ = 	snop  }
0x6: {  	_ = 	snop  }
0x7: {  	_ = 	snop  }
__scs_overlays_trampoline_lowered:
0x8: {  	[smem:$0x3FAD] =	sst s0  }
0x9: {  	[smem:$0x3FAE] =	sst s1  }
0xa: {  	[smem:$0x3FAF] =	sst s2  }
0xb: {  	[smem:$0x3FB0] =	sst s3  }
0xc: {  	[smem:$0x3FB1] =	sst s4  }
0xd: {  	[smem:$0x3FB2] =	sst s5  }
0xe: {  	[smem:$0x3FB3] =	sst s6  }
0xf: {  	[smem:$0x3FB4] =	sst s7  }
0x10: {  	[smem:$0x3FB5] =	sst s8  }
0x11: {  	[smem:$0x3FB6] =	sst s9;
	s0 =	simm.s32 @!p0 $0x0  }
0x12: {  	s1 =	sld [smem:$0x3F9C];
	s0 =	simm.s32 @p0 $0x1  }
0x13: {  	[smem:$0x3FB7] =	sst s0;
	s0 =	simm.s32 @!p1 $0x0  }
0x14: {  	s2 =	sld [smem:$0x3F9B];
	s0 =	simm.s32 @p1 $0x1  }
0x15: {  	[smem:$0x3FB8] =	sst s0;
	s0 =	simm.s32 @!p2 $0x0  }
0x16: {  	s3 =	sld [smem:$0x3FDB];
	s0 =	simm.s32 @p2 $0x1  }
0x17: {  	s4 =	simm.s32 $0x1BF5;
	[smem:$0x3FBA] =	sst s0  }
0x18: {  	s0 =	sld [smem:$0x3F9D];
	_ =	swait.ge [sflag:s4], $0x0  }
0x19: {  	s7 =	sld [smem:$0x3F9E]  }
0x1a: {  	s8 =	sadd.s32 $0xFFFFE003, lr  }
0x1b: {  	s9 =	sadd.s32 $0xFFFFFEF7, lr;
	s5 =	simm.s32 $0xFFFFFFFF;
	p2 =	slt.u32 s8, $0xFFFFF086  }
0x1c: {  	p1 =	slt.u32 s9, $0xF7A;
	s5 =	simm.s32 @!p2 $0x0  }
0x1d: {  	s5 =	simm.s32 @p1 $0x1;
	p0 =	seq.s32 s7, s2  }
0x1e: {  	s7 =	smul.u32 @!p0 $0xF7A, s2;
	p2 =	seq.s32 @!p0 s5, $0x0  }
0x1f: {  	s9 =	smul.u32 $0xF7A, s1;
	s8 =	simm.s32 @!p0 $0x1BF5;
	p2 =	por !p2, p0  }
0x20: {  	[sflag:s8] =	ssyncset.s32 @!p0 $0xFFFFF086;
	s6 =	sadd.s32 @!p0 s3, s7;
	s7 =	simm.s32 @!p0 $0x108  }
0x21: {  	s3 =	sadd.s32 s3, s9;
	s6 =	sadd.s32 @!p0 $0x88, s6;
	s7 =	simm.s32 @p2 $0x1082  }
0x22: {  	[simem:s7], [sflag:s8] =	dma.local @!p0 [hbm:s6], $0xF7A  }
0x23: {  	s9 =	sor.u32 $0xD0000000, s2;
	s6 =	simm.s32 $0x108;
	_ =	swait.ge @!p0 [sflag:s8], $0x0  }
0x24: {  	s3 =	sadd.s32 $0x88, s3;
	s6 =	simm.s32 @!p1 $0x1082;
	[sflag:s4] =	ssyncset.s32 $0xFFFFF086  }
0x25: {  	[simem:s6], [sflag:s4] =	dma.local [hbm:s3], $0xF7A  }
0x26: {  	[smem:$0x3F9E] =	sst s1;
	(tag) =	ssettag s2;
	_ =	strace s9  }
0x27: {  	s1 =	sld [smem:$0x3FAE]  }
0x28: {  	s2 =	sld [smem:$0x3FAF]  }
0x29: {  	s4 =	sld [smem:$0x3FB1]  }
0x2a: {  	p0 =	seq.s32 s5, $0x0;
	s5 =	sld [smem:$0x3FB2]  }
0x2b: {  	s6 =	sld [smem:$0x3FB3]  }
0x2c: {  	s7 =	sld [smem:$0x3FB4]  }
0x2d: {  	s3 =	simm.s32 $0x108;
	s8 =	sld [smem:$0x3FB5]  }
0x2e: {  	s3 =	simm.s32 @!p0 $0x1082;
	s9 =	sld [smem:$0x3FB6]  }
0x2f: {  	lr =	sadd.s32 s0, s3;
	s0 =	sld [smem:$0x3FAD]  }
0x30: {  	s3 =	sld [smem:$0x3FB0]  }
0x31: {  	[smem:$0x3FB9] =	sst s10  }
0x32: {  	s10 =	sld [smem:$0x3FB7];
	_ =	sdelay $0x3  }
0x33: {  	p0 =	seq.s32 s10, $0x1;
	s10 =	sld [smem:$0x3FB9];
	_ =	sdelay $0x3  }
0x34: {  	[smem:$0x3FB9] =	sst s10  }
0x35: {  	s10 =	sld [smem:$0x3FB8];
	_ =	sdelay $0x3  }
0x36: {  	p1 =	seq.s32 s10, $0x1;
	s10 =	sld [smem:$0x3FB9];
	_ =	sdelay $0x3  }
0x37: {  	[smem:$0x3FB9] =	sst s10  }
0x38: {  	s10 =	sld [smem:$0x3FBA]  }
0x39: {  	_ = 	snop;
	(pc) =	sbr.ind lr, $3  }
0x3a: {  	_ = 	snop  }
0x3b: {  	_ = 	snop  }
0x3c: {  	p2 =	seq.s32 s10, $0x1;
	s10 =	sld [smem:$0x3FB9]  }
0x3d: {  	_ =	shalt  }
0x3e: {  	_ =	shalt  }
0x3f: {  	_ =	shalt  }
0x40: {  	_ =	shalt  }
0x41: {  	_ =	shalt  }
0x42: {  	_ =	shalt  }
0x43: {  	_ =	shalt  }
0x44: {  	_ =	shalt  }
0x45: {  	_ =	shalt  }
0x46: {  	_ =	shalt  }
0x47: {  	_ =	shalt  }
0x48: {  	_ =	shalt  }
0x49: {  	_ =	shalt  }
0x4a: {  	_ =	shalt  }
0x4b: {  	_ =	shalt  }
0x4c: {  	_ =	shalt  }
0x4d: {  	_ =	shalt  }
0x4e: {  	_ =	shalt  }
0x4f: {  	_ =	shalt  }
0x50: {  	_ =	shalt  }
0x51: {  	_ =	shalt  }
0x52: {  	_ =	shalt  }
0x53: {  	_ =	shalt  }
0x54: {  	_ =	shalt  }
0x55: {  	_ =	shalt  }
0x56: {  	_ =	shalt  }
0x57: {  	_ =	shalt  }
0x58: {  	_ =	shalt  }
0x59: {  	_ =	shalt  }
0x5a: {  	_ =	shalt  }
0x5b: {  	_ =	shalt  }
0x5c: {  	_ =	shalt  }
0x5d: {  	_ =	shalt  }
0x5e: {  	_ =	shalt  }
0x5f: {  	_ =	shalt  }
0x60: {  	_ =	shalt  }
0x61: {  	_ =	shalt  }
0x62: {  	_ =	shalt  }
0x63: {  	_ =	shalt  }
0x64: {  	_ =	shalt  }
0x65: {  	_ =	shalt  }
0x66: {  	_ =	shalt  }
0x67: {  	_ =	shalt  }
0x68: {  	_ =	shalt  }
0x69: {  	_ =	shalt  }
0x6a: {  	_ =	shalt  }
0x6b: {  	_ =	shalt  }
0x6c: {  	_ =	shalt  }
0x6d: {  	_ =	shalt  }
0x6e: {  	_ =	shalt  }
0x6f: {  	_ =	shalt  }
0x70: {  	_ =	shalt  }
0x71: {  	_ =	shalt  }
0x72: {  	_ =	shalt  }
0x73: {  	_ =	shalt  }
0x74: {  	_ =	shalt  }
0x75: {  	_ =	shalt  }
0x76: {  	_ =	shalt  }
0x77: {  	_ =	shalt  }
0x78: {  	_ =	shalt  }
0x79: {  	_ =	shalt  }
0x7a: {  	_ =	shalt  }
0x7b: {  	_ =	shalt  }
0x7c: {  	_ =	shalt  }
0x7d: {  	_ =	shalt  }
0x7e: {  	_ =	shalt  }
0x7f: {  	_ =	shalt  }
0x80: {  	_ =	shalt  }
0x81: {  	_ =	shalt  }
0x82: {  	_ =	shalt  }
0x83: {  	_ =	shalt  }
0x84: {  	_ =	shalt  }
0x85: {  	_ =	shalt  }
0x86: {  	_ =	shalt  }
0x87: {  	_ =	shalt  }
.Lfunc_end0:
.L_simem_size_0:
called_computation.1_lowered:
.L_overlay_start_0:
0x88: {  	s2 =	sld [smem:$0x3FD9]  }
0x89: {  	s3 =	sld [smem:$0x3FFE];
	_ =	sdelay $0x1  }
0x8a: {  	s1 =	srdreg.scid  }
0x8b: {  	s0 =	sand.u32 $0x1, s1  }
0x8c: {  	s17 =	sshll.u32 s0, $0xA;
	s2 =	sadd.s32 s3, s2  }
0x8d: {  	s2 =	sadd.s32 s2, s17  }
0x8e: {  	[smem:$0x3FC5] =	sst s2  }
0x8f: {  	_ = 	snop  }
0x90: {  	s2 =	sld [smem:$0x3FD0];
	(tm) =	ssettm $0x1  }
0x91: {  	s18 =	sld [smem:$0x3FFB];
	_ =	sdelay $0x3  }
0x92: {  	_ =	strace s18  }
0x93: {  	s3 =	sld [smem:$0x3FFC];
	_ =	sdelay $0x3  }
0x94: {  	_ =	strace s3  }
0x95: {  	s3 =	sld [smem:$0x3FFD];
	_ =	sdelay $0x3  }
0x96: {  	_ =	strace s3  }
0x97: {  	_ =	strace $0x8FFFFFFF  }
0x98: {  	s19 =	sld [smem:$0x3FDB];
	_ =	sdelay $0x1  }
0x99: {  	s4 =	simm.s32 $_scs_section_size  }
0x9a: {  	s5 =	simm.s32 $_size__tile_overlayer_lowered;
	s6 =	simm.s32 $_tile_overlayer_lowered  }
0x9b: {  	s22 =	simm.s32 $0x1BFF;
	s21 =	sshll.u32 s6, $0x1;
	s3 =	sadd.s32 s4, s19  }
0x9c: {  	s7 =	simm.s32 $0x0;
	s20 =	sshll.u32 s5, $0x1;
	s5 =	sadd.s32 s21, s3  }
0x9d: {  	[timem:s7], [sflag:s22] =	dma.local [hbm:s5], s20  }
0x9e: {  	_ =	swait.ge [sflag:s22], s20  }
0x9f: {  	s4 =	ssub.s32 $0x0, s20;
	[sflag:s22] =	ssyncset.done $0x0  }
0xa0: {  	[sflag:s22] =	ssyncadd.s32 s4;
	_ =	sdelay $0x1  }
0xa1: {  	s23 =	simm.s32 $0x1B8B  }
0xa2: {  	_ =	swait.ge [sflag:s23], $0x1  }
0xa3: {  	[sflag:s23] =	ssyncset.done $0x0  }
0xa4: {  	s25 =	simm.s32 $0x1B8E;
	s24 =	sld [smem:$0x3FFE];
	[sflag:s23] =	ssyncadd.s32 $0xFFFFFFFF  }
0xa5: {  	s26 =	simm.s32 $execute0_lowered;
	[smem:$0x3FD2] =	sst s25  }
0xa6: {  	s5 =	sshll.u32 s26, $0x1;
	_ =	strace $0x80000046;
	[dreg:$0x1] =	wrdreg $0xFFFFFFFF  }
0xa7: {  	s28 =	simm.s32 $_size_execute0_lowered;
	s3 =	sadd.s32 s3, s5;
	[dreg:$0x0] =	wrdreg $0x0  }
0xa8: {  	s5 =	sshll.u32 s28, $0x1;
	[dreg:$0x2] =	wrdreg s3  }
0xa9: {  	[dreg:$0x3] =	wrdreg s5  }
0xaa: {  	[dreg:$0x4] =	wrdreg $0xC0  }
0xab: {  	_ =	task [dreg:s7], $0x5FFFF  }
0xac: {  	[dreg:$0x1] =	wrdreg $0xFFFFFFFF  }
0xad: {  	[dreg:$0x0] =	wrdreg $0x60  }
0xae: {  	[dreg:$0x2] =	wrdreg s24  }
0xaf: {  	[dreg:$0x3] =	wrdreg s2  }
0xb0: {  	[dreg:$0x4] =	wrdreg $0x9  }
0xb1: {  	_ =	task.clear_ibuf [dreg:s7], $0x5FFFF;
	_ =	strace $0x90000046  }
0xb2: {  	s29 =	simm.s32 $0x9;
	_ =	strace $0x80000048  }
0xb3: {  	_ =	swait.ge [sflag:s29], $0x1  }
0xb4: {  	[sflag:s29] =	ssyncadd.s32 $0xFFFFFFFF  }
0xb5: {  	_ =	strace $0x90000048  }
0xb6: {  	_ =	sfence  }
0xb7: {  	s30 =	sld [smem:$0x0];
	_ =	sdelay $0x2  }
0xb8: {  	s31 =	sshll.u32 s1, $0xD;
	s1 =	sshrl.u32 s1, $0x2  }
0xb9: {  	s3 =	sand.u32 $0x4000, s31;
	s1 =	sadd.s32 s1, s30  }
0xba: {  	s0 =	sor.u32 s3, s0;
	s1 =	sshll.u32 s1, $0x11  }
0xbb: {  	s0 =	sor.u32 s1, s0  }
0xbc: {  	s0 =	sadd.s32 $0x8F2B, s0  }
0xbd: {  	[sflag:s0] =	ssyncadd.remote.s32 $0x1  }
0xbe: {  	_ =	sfence.sel $0xFFFF  }
0xbf: {  	[dreg:$0x0] =	wrdreg $0xFFFFFFFF;
	(pc) =	sbr.abs _section_cstart, $3  }
0xc0: {  	[dreg:$0x1] =	wrdreg $0xFFFFFFFF  }
0xc1: {  	_ =	task.clear_ibuf [dreg:s7], $0x2FFFF;
	_ =	strace $0x9FFFFFFF  }
0xc2: {  	(tm) =	ssettm $0x7FFFFFFF  }
0xc3: {  	_ =	shalt  }
tec
execute0_lowered:
.L_overlay_start_1:
0x0: {  	(tag) =	ssettag $0x1  }
0x1: {  	s5 =	rddreg [dreg:$0x0];
	s1 =	srdreg.scid  }
0x2: {  	s0 =	stileid.u32;
	s2 =	rddreg [dreg:$0x1]  }
0x3: {  	s3 =	simm.s32 $0x0;
	s10 =	simm.s32 $0x2;
	s11 =	simm.s32 $0x64  }
0x4: {  	s12 =	simm.s32 $0x7480;
	s13 =	simm.s32 $0x8100;
	s14 =	simm.s32 $0x8D80  }
0x5: {  	s15 =	simm.s32 $0x9A00;
	s16 =	simm.s32 $0xA680;
	s17 =	simm.s32 $0xB300  }
0x6: {  	s18 =	simm.s32 $0xBF80;
	s19 =	simm.s32 $0x1;
	s20 =	simm.s32 $0x6800  }
0x7: {  	s4 =	sand.u32 $0x1, s1;
	s6 =	sshll.u32 s0, $0x1;
	s1 =	rddreg [dreg:$0x2]  }
0x8: {  	s21 =	simm.s32 $0x0;
	[smem:$0x7FF] =	sst s3;
	s7 =	sor.u32 s4, s6  }
0x9: {  	_ =	strace $0x80000047;
	s8 =	ssub.s32 $0x2, s4;
	s6 =	smul.u32 $0xD00, s7  }
0xa: {  	s4 =	sadd.s32 $0xF43000, s5;
	s9 =	sshrl.u32 s8, $0x1;
	s7 =	smul.u32 $0x6400, s7  }
0xb: {  	s8 =	ssub.s32 s8, s9;
	s9 =	simm.s32 $0xCC00;
	s6 =	sadd.s32 s6, s5  }
0xc: {  	s5 =	sadd.s32 $0x1AC00, s5;
	s8 =	smax.u32 s8, $0x1;
	s6 =	sadd.s32 $0xC00, s6  }
.LBB2_1:
0xd: {  	[tilespmem:s9], [sflag:$0x2] =	stream.linear.gather [hbm4b:s5+s3], $0x1900, $0x38;
	[tilespmem:$0xE500] =	vst v63  }
0xe: {  	_ =	swait.ge [sflag:s10], $0x1900  }
0xf: {  	[sflag:s10] =	ssyncset.done $0x0  }
0x10: {  	[sflag:s10] =	ssyncadd.s32 $0xFFFFE700  }
0x11: {  	[tilespmem:s3], [sflag:$0x2] =	stream.linear.gather [hbm4b:s6+s3], $0x6800, $0x38;
	[tilespmem:$0xE500] =	vst v63  }
0x12: {  	_ =	swait.ge [sflag:s10], $0x6800  }
0x13: {  	[sflag:s10] =	ssyncset.done $0x0  }
0x14: {  	s22 =	simm.s32 $0x0;
	[sflag:s10] =	ssyncadd.s32 $0xFFFF9800  }
.LBB2_2:
0x15: {  	s23 =	smul.u32 $0xD00, s22;
	_ =	sdelay $0x1  }
0x16: {  	s24 =	sshra.s32 s23, $0x2;
	s23 =	simm.s32 $0x6800  }
0x17: {  	[tilespmem:s23], [sflag:$0x1] =	stream.indirect.gather [hbm4b:s4+s11], $0x20, s24, s11, $0xb8;
	[tilespmem:$0xE500] =	vst v63  }
0x18: {  	s25 =	sadd.s32 $0x68, s24  }
0x19: {  	[tilespmem:s12], [sflag:$0x1] =	stream.indirect.gather [hbm4b:s4+s11], $0x20, s25, s11, $0xb8;
	[tilespmem:$0xE500] =	vst v63  }
0x1a: {  	s26 =	sadd.s32 $0xD0, s24  }
0x1b: {  	[tilespmem:s13], [sflag:$0x1] =	stream.indirect.gather [hbm4b:s4+s11], $0x20, s26, s11, $0xb8;
	[tilespmem:$0xE500] =	vst v63  }
0x1c: {  	s28 =	sadd.s32 $0x138, s24  }
0x1d: {  	[tilespmem:s14], [sflag:$0x1] =	stream.indirect.gather [hbm4b:s4+s11], $0x20, s28, s11, $0xb8;
	[tilespmem:$0xE500] =	vst v63  }
0x1e: {  	s29 =	sadd.s32 $0x1A0, s24  }
0x1f: {  	[tilespmem:s15], [sflag:$0x1] =	stream.indirect.gather [hbm4b:s4+s11], $0x20, s29, s11, $0xb8;
	[tilespmem:$0xE500] =	vst v63  }
0x20: {  	s30 =	sadd.s32 $0x208, s24  }
0x21: {  	[tilespmem:s16], [sflag:$0x1] =	stream.indirect.gather [hbm4b:s4+s11], $0x20, s30, s11, $0xb8;
	[tilespmem:$0xE500] =	vst v63  }
0x22: {  	s31 =	sadd.s32 $0x270, s24  }
0x23: {  	[tilespmem:s17], [sflag:$0x1] =	stream.indirect.gather [hbm4b:s4+s11], $0x20, s31, s11, $0xb8;
	[tilespmem:$0xE500] =	vst v63  }
0x24: {  	s24 =	sadd.s32 $0x2D8, s24  }
0x25: {  	[tilespmem:s18], [sflag:$0x1] =	stream.indirect.gather [hbm4b:s4+s11], $0x20, s24, s11, $0xb8;
	[tilespmem:$0xE500] =	vst v63  }
0x26: {  	_ =	swait.ge [sflag:s19], $0xC80  }
0x27: {  	[sflag:s19] =	ssyncset.done $0x0  }
0x28: {  	[sflag:s19] =	ssyncadd.s32 $0xFFFFF380  }
0x29: {  	_ =	swait.ge [sflag:s19], $0xC80  }
0x2a: {  	[sflag:s19] =	ssyncset.done $0x0  }
0x2b: {  	[sflag:s19] =	ssyncadd.s32 $0xFFFFF380  }
0x2c: {  	_ =	swait.ge [sflag:s19], $0xC80  }
0x2d: {  	[sflag:s19] =	ssyncset.done $0x0  }
0x2e: {  	[sflag:s19] =	ssyncadd.s32 $0xFFFFF380  }
0x2f: {  	_ =	swait.ge [sflag:s19], $0xC80  }
0x30: {  	[sflag:s19] =	ssyncset.done $0x0  }
0x31: {  	[sflag:s19] =	ssyncadd.s32 $0xFFFFF380  }
0x32: {  	_ =	swait.ge [sflag:s19], $0xC80  }
0x33: {  	[sflag:s19] =	ssyncset.done $0x0  }
0x34: {  	[sflag:s19] =	ssyncadd.s32 $0xFFFFF380  }
0x35: {  	_ =	swait.ge [sflag:s19], $0xC80  }
0x36: {  	[sflag:s19] =	ssyncset.done $0x0  }
0x37: {  	[sflag:s19] =	ssyncadd.s32 $0xFFFFF380  }
0x38: {  	_ =	swait.ge [sflag:s19], $0xC80  }
0x39: {  	[sflag:s19] =	ssyncset.done $0x0  }
0x3a: {  	[sflag:s19] =	ssyncadd.s32 $0xFFFFF380  }
0x3b: {  	_ =	swait.ge [sflag:s19], $0xC80  }
0x3c: {  	[sflag:s19] =	ssyncset.done $0x0  }
0x3d: {  	[sflag:s19] =	ssyncadd.s32 $0xFFFFF380  }
0x3e: {  	v0 =	vld [tilespmem:s23+$0x4B00]  }
0x3f: {  	s24 =	simm.s32 $0xCC20;
	v2 =	vld [tilespmem:s23+$0x3200]  }
0x40: {  	v3 =	vld [tilespmem:s24+$0xFFFFFFE0]  }
0x41: {  	v4 =	vld [tilespmem:s23+$0x1900]  }
0x42: {  	v1 =	vld [tilespmem:s23+$0x4B10]  }
0x43: {  	v7 =	vld [tilespmem:s24+$0xFFFFFFF0]  }
0x44: {  	v6 =	vld [tilespmem:s23+$0x0]  }
0x45: {  	v5 =	vld [tilespmem:s23+$0x1910];
	v2 =	vadd.f32 v2, v3  }
0x46: {  	v8 =	vld [tilespmem:s23+$0x10];
	v4 =	vadd.f32 v4, v3  }
0x47: {  	v9 =	vld [tilespmem:s23+$0x3210];
	v0 =	vadd.f32 v0, v3;
	[tilespmem:s23+$0x3200] =	vst v2  }
0x48: {  	v1 =	vadd.f32 v1, v7;
	[tilespmem:s23+$0x1900] =	vst v4  }
0x49: {  	v2 =	vadd.f32 v6, v3;
	[tilespmem:s23+$0x4B00] =	vst v0;
	v0 =	vld [tilespmem:s23+$0x30]  }
0x4a: {  	v3 =	vadd.f32 v5, v7;
	[tilespmem:s23+$0x4B10] =	vst v1;
	v4 =	vld [tilespmem:s23+$0x20]  }
0x4b: {  	v5 =	vadd.f32 v8, v7;
	v1 =	vld [tilespmem:s23+$0x4B20];
	[tilespmem:s23+$0x0] =	vst v2  }
0x4c: {  	v6 =	vadd.f32 v9, v7;
	v8 =	vld [tilespmem:s23+$0x3220];
	[tilespmem:s23+$0x1910] =	vst v3  }
0x4d: {  	v2 =	vld [tilespmem:s23+$0x1920];
	[tilespmem:s23+$0x10] =	vst v5  }
0x4e: {  	[tilespmem:s23+$0x3210] =	vst v6;
	v5 =	vld [tilespmem:s23+$0x1930]  }
0x4f: {  	v6 =	vld [tilespmem:s24+$0x0]  }
0x50: {  	v3 =	vld [tilespmem:s24+$0x10]  }
0x51: {  	v7 =	vld [tilespmem:s23+$0x3230]  }
0x52: {  	s25 =	simm.s32 $0x6800;
	s26 =	simm.s32 $0x0;
	v9 =	vld [tilespmem:s23+$0x4B30]  }
.LBB2_3:
0x53: {  	s26 =	sadd.s32 $0x2, s26;
	s23 =	sadd.s32 $0x40, s23;
	s24 =	sadd.s32 $0x40, s24  }
0x54: {  	p0 =	slt.u32 s26, $0xC6;
	v4 =	vadd.f32 v4, v6;
	v8 =	vadd.f32 v8, v6  }
0x55: {  	v2 =	vadd.f32 v2, v6;
	v5 =	vadd.f32 v5, v3  }
0x56: {  	v0 =	vadd.f32 v0, v3;
	[tilespmem:s25+$0x20] =	vst v4;
	v4 =	vadd.f32 v7, v3  }
0x57: {  	v1 =	vadd.f32 v1, v6;
	[tilespmem:s25+$0x1920] =	vst v2;
	v2 =	vadd.f32 v9, v3  }
0x58: {  	[tilespmem:s25+$0x30] =	vst v0  }
0x59: {  	[tilespmem:s25+$0x3220] =	vst v8  }
0x5a: {  	v0 =	vld [tilespmem:s23+$0x4B00];
	[tilespmem:s25+$0x4B20] =	vst v1  }
0x5b: {  	v1 =	vld [tilespmem:s23+$0x4B10];
	[tilespmem:s25+$0x4B30] =	vst v2  }
0x5c: {  	v2 =	vld [tilespmem:s23+$0x1910];
	[tilespmem:s25+$0x1930] =	vst v5  }
0x5d: {  	v3 =	vld [tilespmem:s23+$0x3200];
	[tilespmem:s25+$0x3230] =	vst v4;
	s25 =	smov.u32 s23  }
0x5e: {  	v4 =	vld [tilespmem:s24+$0xFFFFFFE0]  }
0x5f: {  	v5 =	vld [tilespmem:s23+$0x1900]  }
0x60: {  	v6 =	vld [tilespmem:s23+$0x10]  }
0x61: {  	v7 =	vld [tilespmem:s23+$0x0]  }
0x62: {  	v8 =	vld [tilespmem:s24+$0xFFFFFFF0]  }
0x63: {  	v3 =	vadd.f32 v3, v4;
	v9 =	vld [tilespmem:s23+$0x3210];
	v0 =	vadd.f32 v0, v4  }
0x64: {  	v5 =	vadd.f32 v5, v4  }
0x65: {  	[tilespmem:s23+$0x3200] =	vst v3  }
0x66: {  	v3 =	vadd.f32 v7, v4;
	[tilespmem:s23+$0x1900] =	vst v5  }
0x67: {  	v5 =	vadd.f32 v2, v8;
	[tilespmem:s23+$0x4B00] =	vst v0;
	v1 =	vadd.f32 v1, v8;
	v0 =	vld [tilespmem:s23+$0x30]  }
0x68: {  	[tilespmem:s23+$0x0] =	vst v3;
	v3 =	vadd.f32 v6, v8;
	v6 =	vadd.f32 v9, v8;
	v2 =	vld [tilespmem:s23+$0x1920]  }
0x69: {  	[tilespmem:s23+$0x4B10] =	vst v1;
	v4 =	vld [tilespmem:s23+$0x20]  }
0x6a: {  	[tilespmem:s23+$0x1910] =	vst v5;
	v1 =	vld [tilespmem:s23+$0x4B20]  }
0x6b: {  	[tilespmem:s23+$0x10] =	vst v3;
	v8 =	vld [tilespmem:s23+$0x3220]  }
.Ltmp0:
0x6c: {  	[tilespmem:s23+$0x3210] =	vst v6;
	v5 =	vld [tilespmem:s23+$0x1930];
	(pc) =	sbr.rel @p0 .LBB2_3-.Ltmp0, $4  }
0x6d: {  	v6 =	vld [tilespmem:s24+$0x0]  }
0x6e: {  	v3 =	vld [tilespmem:s24+$0x10]  }
0x6f: {  	v7 =	vld [tilespmem:s23+$0x3230]  }
0x70: {  	v9 =	vld [tilespmem:s23+$0x4B30]  }
0x71: {  	_ = 	snop  }
0x72: {  	v4 =	vadd.f32 v4, v6  }
0x73: {  	v2 =	vadd.f32 v2, v6  }
0x74: {  	v60 =	vadd.f32 v8, v6;
	[tilespmem:s25+$0x20] =	vst v4  }
0x75: {  	v1 =	vadd.f32 v1, v6;
	[tilespmem:s25+$0x1920] =	vst v2  }
0x76: {  	v0 =	vadd.f32 v0, v3;
	[tilespmem:s25+$0x3220] =	vst v60  }
0x77: {  	s23 =	smul.u32 $0x320, s22;
	v62 =	vadd.f32 v5, v3;
	[tilespmem:s25+$0x4B20] =	vst v1  }
0x78: {  	v63 =	vadd.f32 v7, v3;
	[tilespmem:s25+$0x30] =	vst v0  }
0x79: {  	s22 =	sadd.s32 $0x1, s22;
	s23 =	sadd.s32 s7, s23;
	v61 =	vadd.f32 v9, v3;
	[tilespmem:s25+$0x1930] =	vst v62  }
0x7a: {  	p0 =	sne.s32 s22, $0x20;
	s23 =	sshll.u32 s23, $0x2;
	[tilespmem:s25+$0x3230] =	vst v63  }
.Ltmp1:
0x7b: {  	s23 =	sadd.s32 s2, s23;
	[tilespmem:s25+$0x4B30] =	vst v61;
	(pc) =	sbr.rel @p0 .LBB2_2-.Ltmp1, $4  }
0x7c: {  	[hbm4b:s23+s3] =	stream.linear.scatter [tilespmem:s20], [sflag:$0x2], $0x6400, $0x38;
	[tilespmem:$0xE500] =	vst v63  }
0x7d: {  	_ =	swait.ge [sflag:s10], $0x6400  }
0x7e: {  	[sflag:s10] =	ssyncset.done $0x0  }
0x7f: {  	[sflag:s10] =	ssyncadd.s32 $0xFFFF9C00  }
0x80: {  	s21 =	sadd.s32 $0x1, s21  }
0x81: {  	p0 =	sne.s32 s21, s8  }
.Ltmp2:
0x82: {  	_ = 	snop;
	(pc) =	sbr.rel @p0 .LBB2_1-.Ltmp2, $1  }
0x83: {  	_ =	sdelay $0x3  }
0x84: {  	_ =	sfence.sel $0x180000  }
0x85: {  	[bflag:$0x0] =	sbarrier.arrive $0xFFFF  }
0x86: {  	p0 =	sne.s32 s0, $0x0;
	_ =	strace $0x90000047  }
0x87: {  	s0 =	sadd.s32 @!p0 $0x100000, s1;
	[bflag:$0x2] =	sbarrier.arrive $0xFFFF  }
0x88: {  	[sflag:s0] =	ssyncadd.tile.s32 @!p0 $0x1;
	_ =	shalt  }
.Lfunc_end2:
_tile_overlayer_lowered:
.L_overlay_start_2:
0x89: {  	(tag) =	ssettag $0x2  }
0x8a: {  	s0 =	rddreg [dreg:$0x0];
	s2 =	stileid.u32  }
0x8b: {  	s1 =	rddreg [dreg:$0x1];
	p0 =	sne.s32 s2, $0x0  }
0x8c: {  	s3 =	rddreg [dreg:$0x2];
	[bflag:$0x3] =	sbarrier.arrive $0xFFFF;
	s2 =	simm.s32 @!p0 $0x1C02  }
0x8d: {  	[timem:s3], [sflag:s2] =	dma.local @!p0 [hbm:s0], s1  }
0x8e: {  	s0 =	simm.s32 @!p0 $0x2  }
0x8f: {  	_ =	swait.ge @!p0 [sflag:s0], s1  }
0x90: {  	s1 =	ssub.s32 @!p0 $0x0, s1;
	[sflag:s0] =	ssyncset.done @!p0 $0x0  }
0x91: {  	[sflag:s0] =	ssyncadd.s32 @!p0 s1  }
0x92: {  	[bflag:$0x3] =	sbarrier.arrive $0xFFFF  }
0x93: {  	_ =	shalt  }

// kernel: sparse-core-data-format-call.cloned.1.call-start
scs
called_computation_lowered:
.L_overlay_start_0:
0x0: {  	s2 =	sld [smem:$0x3FD9]  }
0x1: {  	s3 =	sld [smem:$0x3FFE];
	_ =	sdelay $0x1  }
0x2: {  	s1 =	srdreg.scid  }
0x3: {  	s0 =	sand.u32 $0x1, s1  }
0x4: {  	s18 =	sshll.u32 s0, $0xA;
	s2 =	sadd.s32 s3, s2  }
0x5: {  	s2 =	sadd.s32 s2, s18  }
0x6: {  	[smem:$0x3FC5] =	sst s2  }
0x7: {  	_ = 	snop  }
0x8: {  	s2 =	sld [smem:$0x3FD0];
	(tm) =	ssettm $0x1  }
0x9: {  	s19 =	sld [smem:$0x3FFB];
	_ =	sdelay $0x3  }
0xa: {  	_ =	strace s19  }
0xb: {  	s3 =	sld [smem:$0x3FFC];
	_ =	sdelay $0x3  }
0xc: {  	_ =	strace s3  }
0xd: {  	s3 =	sld [smem:$0x3FFD];
	_ =	sdelay $0x3  }
0xe: {  	_ =	strace s3  }
0xf: {  	_ =	strace $0x8FFFFFFF  }
0x10: {  	s20 =	sld [smem:$0x3FDB];
	_ =	sdelay $0x1  }
0x11: {  	s4 =	simm.s32 $_scs_section_size  }
0x12: {  	s5 =	simm.s32 $_size__tile_overlayer_lowered;
	s6 =	simm.s32 $_tile_overlayer_lowered  }
0x13: {  	s23 =	simm.s32 $0x1BFF;
	s22 =	sshll.u32 s6, $0x1;
	s3 =	sadd.s32 s4, s20  }
0x14: {  	s7 =	simm.s32 $0x0;
	s21 =	sshll.u32 s5, $0x1;
	s5 =	sadd.s32 s22, s3  }
0x15: {  	[timem:s7], [sflag:s23] =	dma.local [hbm:s5], s21  }
0x16: {  	_ =	swait.ge [sflag:s23], s21  }
0x17: {  	s4 =	ssub.s32 $0x0, s21;
	[sflag:s23] =	ssyncset.done $0x0  }
0x18: {  	[sflag:s23] =	ssyncadd.s32 s4;
	_ =	sdelay $0x1  }
0x19: {  	s24 =	simm.s32 $0x1B8B  }
0x1a: {  	_ =	swait.ge [sflag:s24], $0x1  }
0x1b: {  	[sflag:s24] =	ssyncset.done $0x0  }
0x1c: {  	s26 =	simm.s32 $0x1B8E;
	s25 =	sld [smem:$0x3FFE];
	[sflag:s24] =	ssyncadd.s32 $0xFFFFFFFF  }
0x1d: {  	s27 =	simm.s32 $execute0_lowered;
	[smem:$0x3FD2] =	sst s26  }
0x1e: {  	s5 =	sshll.u32 s27, $0x1;
	_ =	strace $0x80000049;
	[dreg:$0x1] =	wrdreg $0xFFFFFFFF  }
0x1f: {  	s28 =	simm.s32 $_size_execute0_lowered;
	s3 =	sadd.s32 s3, s5;
	[dreg:$0x0] =	wrdreg $0x0  }
0x20: {  	s5 =	sshll.u32 s28, $0x1;
	[dreg:$0x2] =	wrdreg s3  }
0x21: {  	[dreg:$0x3] =	wrdreg s5  }
0x22: {  	[dreg:$0x4] =	wrdreg $0xC0  }
0x23: {  	_ =	task [dreg:s7], $0x5FFFF  }
0x24: {  	[dreg:$0x1] =	wrdreg $0xFFFFFFFF  }
0x25: {  	[dreg:$0x0] =	wrdreg $0x60  }
0x26: {  	[dreg:$0x2] =	wrdreg s25  }
0x27: {  	[dreg:$0x3] =	wrdreg s2  }
0x28: {  	[dreg:$0x4] =	wrdreg $0x9  }
0x29: {  	_ =	task.clear_ibuf [dreg:s7], $0x5FFFF;
	_ =	strace $0x90000049  }
0x2a: {  	s29 =	simm.s32 $0x9;
	_ =	strace $0x8000004B  }
0x2b: {  	_ =	swait.ge [sflag:s29], $0x1  }
0x2c: {  	[sflag:s29] =	ssyncadd.s32 $0xFFFFFFFF  }
0x2d: {  	_ =	strace $0x9000004B  }
0x2e: {  	_ =	sfence  }
0x2f: {  	s30 =	sld [smem:$0x0];
	_ =	sdelay $0x2  }
0x30: {  	s31 =	sshll.u32 s1, $0xD;
	s1 =	sshrl.u32 s1, $0x2  }
0x31: {  	s3 =	sand.u32 $0x4000, s31;
	s1 =	sadd.s32 s1, s30  }
0x32: {  	s0 =	sor.u32 s3, s0;
	s1 =	sshll.u32 s1, $0x11  }
0x33: {  	s0 =	sor.u32 s1, s0  }
0x34: {  	s0 =	sadd.s32 $0x8F2B, s0  }
0x35: {  	[sflag:s0] =	ssyncadd.remote.s32 $0x1  }
0x36: {  	_ =	sfence.sel $0xFFFF  }
0x37: {  	[dreg:$0x0] =	wrdreg $0xFFFFFFFF;
	(pc) =	sbr.abs _section_cstart, $3  }
0x38: {  	[dreg:$0x1] =	wrdreg $0xFFFFFFFF  }
0x39: {  	_ =	task.clear_ibuf [dreg:s7], $0x2FFFF;
	_ =	strace $0x9FFFFFFF  }
0x3a: {  	(tm) =	ssettm $0x7FFFFFFF  }
0x3b: {  	_ =	shalt  }
tec
execute0_lowered:
.L_overlay_start_1:
0x0: {  	(tag) =	ssettag $0x1  }
0x1: {  	s0 =	srdreg.scid  }
0x2: {  	s1 =	sshll.u32 s0, $0x4  }
0x3: {  	s0 =	stileid.u32;
	s1 =	sand.u32 $0x10, s1  }
0x4: {  	s1 =	sor.u32 s0, s1  }
0x5: {  	s6 =	rddreg [dreg:$0x0];
	s4 =	simm.s32 $0x1;
	s2 =	sshll.u32 s1, $0x7  }
0x6: {  	s7 =	simm.s32 $0x2;
	s12 =	simm.s32 $0x0;
	s1 =	ssub.s32 $0x1000, s2  }
0x7: {  	s8 =	simm.s32 $0x8000;
	s13 =	simm.s32 $0x0;
	s3 =	sand.u32 $0xF80, s1  }
0x8: {  	s9 =	simm.s32 $0x0;
	s5 =	sshrl.u32 s1, $0xC;
	p0 =	sne.s32 s3, $0x0  }
.Ltmp0:
0x9: {  	s1 =	rddreg [dreg:$0x2];
	s4 =	simm.s32 @!p0 $0x0;
	(pc) =	sbr.rel .LBB1_1-.Ltmp0, $4  }
0xa: {  	s11 =	simm.s32 $0x0;
	s3 =	rddreg [dreg:$0x1];
	s5 =	sadd.s32 s4, s5  }
0xb: {  	_ =	strace $0x8000004A;
	s4 =	simm.s32 $0x1;
	s5 =	smul.u32 $0xC8, s5  }
0xc: {  	s6 =	sadd.s32 $0xC00, s6;
	s10 =	smov.u32 s2;
	[sflag:s4] =	ssyncpa.u1 $0x0  }
0xd: {  	p0 =	por $0x0, $0x0;
	[sflag:s7] =	ssyncpa.u1 $0x0;
	s7 =	sor.u32 $0x1, s5  }
.LBB1_4:
0xe: {  	s16 =	sshll.u32 s13, $0x3;
	s17 =	sand.u32 $0x78, s13  }
0xf: {  	s30 =	sand.u32 $0x3E00, s13;
	s12 =	sshll.u32 s12, $0xE;
	s16 =	sand.u32 $0xC00, s16  }
0x10: {  	s31 =	sand.u32 $0x7, s13;
	s16 =	sor.u32 s17, s16;
	s17 =	sadd.s32 s3, s30  }
0x11: {  	s13 =	sshll.u32 s31, $0x12;
	s16 =	sshrl.u32 s16, $0x3;
	s12 =	sadd.s32 s12, s17  }
0x12: {  	[tilespmem:s15+$0x0 ss:$0x81] =	vst.msk $0xffff, v0;
	s13 =	sor.u32 $0x400, s13;
	s12 =	sadd.s32 s16, s12  }
0x13: {  	[hbm4b:s12+s13] =	stream.strided.scatter [tilespmem:s14], [sflag:$0x2], $0x1000, s8, s13, $0x20;
	[tilespmem:$0x4040] =	vst v63  }
.LBB1_5:
0x14: {  	s14 =	sadd.s32 $0x1, s9  }
0x15: {  	s12 =	sadd.s32 $0x1000, s10;
	s16 =	smov.u32 s10;
	p2 =	sgt.s32 s14, $0xC7  }
0x16: {  	s16 =	smov.u32 @p2 s12  }
0x17: {  	s14 =	simm.s32 @p2 $0x0;
	p2 =	sgt.s32 s16, $0xFFF  }
0x18: {  	s16 =	smov.u32 @p2 s2;
	p2 =	sne.s32 s11, s7  }
.Ltmp1:
0x19: {  	p1 =	slt.u32 s11, $0x2;
	(pc) =	sbr.rel @!p2 .LBB1_6-.Ltmp1, $4  }
0x1a: {  	s15 =	simm.s32 @!p1 $0x2  }
0x1b: {  	s13 =	smov.u32 s10;
	p0 =	por !p0, !p0;
	_ =	swait.ge @!p1 [sflag:s15], $0x1000  }
0x1c: {  	s12 =	smov.u32 s9;
	[sflag:s15] =	ssyncset.done @!p1 $0x0;
	s9 =	smov.u32 s14  }
0x1d: {  	s11 =	sadd.s32 $0x1, s11;
	[sflag:s15] =	ssyncadd.s32 @!p1 $0xFFFFF000;
	s10 =	smov.u32 s16  }
.LBB1_1:
0x1e: {  	p1 =	sge.u32 s11, s5  }
0x1f: {  	s14 =	sand.u32 @!p1 $0x1FFFFFF, s9  }
0x20: {  	s15 =	smulhi.u32 @!p1 $0x147AE15, s14;
	_ =	sdelay $0x1  }
0x21: {  	s15 =	smul.u32 @!p1 $0xC8, s15  }
0x22: {  	s16 =	sxor.u32 @!p1 $0xFFFFFFFF, s11;
	s17 =	smul.u32 @!p1 $0xC80, s10  }
0x23: {  	s31 =	sadd.s32 $0xFFFFFFFF, s11;
	s16 =	sshll.u32 @!p1 s16, $0xC;
	s14 =	ssub.s32 @!p1 s14, s15  }
0x24: {  	s15 =	sand.u32 @!p1 $0x1000, s16;
	s16 =	sadd.s32 @!p1 s6, s17;
	s14 =	sshll.u32 @!p1 s14, $0x4  }
0x25: {  	s17 =	simm.s32 @!p1 $0x6400;
	s14 =	sadd.s32 @!p1 s14, s16;
	s16 =	simm.s32 @!p1 $0x20  }
0x26: {  	[tilespmem:s15], [sflag:$0x1] =	stream.strided.gather @!p1 [hbm4b:s14+s16], $0x1000, s17, s16, $0x38;
	[tilespmem:$0x4040] =	vst v63  }
0x27: {  	p1 =	sge.u32 s31, s5  }
.Ltmp2:
0x28: {  	_ = 	snop;
	(pc) =	sbr.rel @p1 .LBB1_5-.Ltmp2, $1  }
0x29: {  	_ =	sdelay $0x3  }
0x2a: {  	s14 =	simm.s32 $0x1  }
0x2b: {  	_ =	swait.ge [sflag:s4], $0x1000;
	s14 =	simm.s32 @!p0 $0x0  }
0x2c: {  	[sflag:s4] =	ssyncset.done $0x0;
	s15 =	sshll.u32 s14, $0xC  }
0x2d: {  	[sflag:s4] =	ssyncadd.s32 $0xFFFFF000;
	s18 =	sor.u32 $0x10, s15  }
0x2e: {  	s14 =	smul.u32 $0x4080, s14;
	v1 =	vld [tilespmem:s18+$0x0]  }
0x2f: {  	s30 =	sand.u32 $0x1, s11;
	v0 =	vld [tilespmem:s18+$0xFFFFFFF0]  }
0x30: {  	s15 =	smul.u32 $0x4080, s30;
	s14 =	sshrl.u32 s14, $0x2  }
0x31: {  	s16 =	sor.u32 $0x2000, s14  }
0x32: {  	s31 =	sshrl.u32 s15, $0x2;
	s15 =	sadd.s32 $0x0, s16  }
0x33: {  	s17 =	simm.s32 $0x4;
	s18 =	sadd.s32 $0x20, s18;
	s14 =	sor.u32 $0x2000, s31;
	[tilespmem:s15+$0x810 ss:$0x81] =	vst.msk $0xffff, v1  }
.LBB1_3:
0x34: {  	v1 =	vld [tilespmem:s18+$0x0];
	p1 =	sne.s32 s17, $0x1FC;
	[tilespmem:s15+$0x0 ss:$0x81] =	vst.msk $0xffff, v0;
	s15 =	smov.u32 s17;
	s17 =	sadd.s32 $0x4, s17  }
.Ltmp3:
0x35: {  	v0 =	vld [tilespmem:s18+$0xFFFFFFF0];
	(pc) =	sbr.rel @p1 .LBB1_3-.Ltmp3, $4  }
0x36: {  	_ = 	snop  }
0x37: {  	s15 =	sshra.s32 s15, $0x2  }
0x38: {  	s15 =	sadd.s32 s15, s16  }
0x39: {  	s18 =	sadd.s32 $0x20, s18;
	[tilespmem:s15+$0x810 ss:$0x81] =	vst.msk $0xffff, v1  }
.Ltmp4:
0x3a: {  	_ = 	snop;
	(pc) =	sbr.rel .LBB1_4-.Ltmp4, $1  }
0x3b: {  	_ =	sdelay $0x3  }
.LBB1_6:
0x3c: {  	_ =	sfence.sel $0x180000  }
0x3d: {  	s2 =	simm.s32 $0x1;
	[bflag:$0x0] =	sbarrier.arrive $0xFFFF  }
0x3e: {  	s31 =	simm.s32 $0x2;
	[sflag:s2] =	ssyncpa.u1 $0x1  }
0x3f: {  	[sflag:s31] =	ssyncpa.u1 $0x1  }
0x40: {  	p0 =	sne.s32 s0, $0x0;
	_ =	strace $0x9000004A  }
0x41: {  	s0 =	sadd.s32 @!p0 $0x100000, s1;
	[bflag:$0x2] =	sbarrier.arrive $0xFFFF  }
0x42: {  	[sflag:s0] =	ssyncadd.tile.s32 @!p0 $0x1;
	_ =	shalt  }
.Lfunc_end1:
_tile_overlayer_lowered:
.L_overlay_start_2:
0x43: {  	(tag) =	ssettag $0x2  }
0x44: {  	s0 =	rddreg [dreg:$0x0];
	s2 =	stileid.u32  }
0x45: {  	s1 =	rddreg [dreg:$0x1];
	p0 =	sne.s32 s2, $0x0  }
0x46: {  	s3 =	rddreg [dreg:$0x2];
	[bflag:$0x3] =	sbarrier.arrive $0xFFFF;
	s2 =	simm.s32 @!p0 $0x1C01  }
0x47: {  	[timem:s3], [sflag:s2] =	dma.local @!p0 [hbm:s0], s1  }
0x48: {  	s0 =	simm.s32 @!p0 $0x1  }
0x49: {  	_ =	swait.ge @!p0 [sflag:s0], s1  }
0x4a: {  	s1 =	ssub.s32 @!p0 $0x0, s1;
	[sflag:s0] =	ssyncset.done @!p0 $0x0  }
0x4b: {  	[sflag:s0] =	ssyncadd.s32 @!p0 s1  }
0x4c: {  	[bflag:$0x3] =	sbarrier.arrive $0xFFFF  }
0x4d: {  	_ =	shalt  }

</sc_bundles>
